<compile_context>
chip_gen: v7x
topology: tpu7x:2x2x1
jax: 0.10.2.dev20260603
libtpu: 0.0.44.dev20260713+nightly
codegen_flags: <defaults>
</compile_context>

<pallas_src>
import functools

import jax
import jax.numpy as jnp
from jax import lax
from jax.experimental import pallas as pl
from jax.experimental.pallas import tpu as pltpu
from jax.experimental.pallas import tpu_sc as plsc

_NC = 2
_NS = 16
_NW = _NC * _NS
_LANES = 16
_CHUNK = 64
_SLOTS = 16


def _make_sc_dots(B, D, K):
    rows_per_w = B // _NW
    n_chunks = rows_per_w // _CHUNK
    n_vr = D // _LANES
    mesh = plsc.VectorSubcoreMesh(core_axis_name="c", subcore_axis_name="s")

    @functools.partial(
        pl.kernel,
        mesh=mesh,
        compiler_params=pltpu.CompilerParams(
            use_tc_tiling_on_sc=False, needs_layout_passes=False
        ),
        out_type=jax.ShapeDtypeStruct((B, _SLOTS, _LANES), jnp.float32),
        scratch_types=(
            [pltpu.VMEM((K, _CHUNK), jnp.int32)]
            + [pltpu.VMEM((_CHUNK, D), jnp.float32) for _ in range(K)]
            + [pltpu.VMEM((_CHUNK, _SLOTS, _LANES), jnp.float32)]
            + [pltpu.SemaphoreType.DMA]
        ),
    )
    def sc(idx_hbm, emb_hbm, w_hbm, out_hbm, idx_v, *rest):
        bufs = rest[:K]
        part_v = rest[K]
        sem = rest[K + 1]
        wid = lax.axis_index("s") * _NC + lax.axis_index("c")
        base_w = wid * rows_per_w

        zeros = jnp.zeros((_LANES,), jnp.float32)

        def zero_body(r, carry):
            for j in range(K - 1, _SLOTS):
                part_v[r, j] = zeros
            return carry

        lax.fori_loop(0, _CHUNK, zero_body, 0)

        def chunk_body(ci, carry):
            base = base_w + ci * _CHUNK
            pltpu.sync_copy(idx_hbm.at[:, pl.ds(base, _CHUNK)], idx_v)
            handles = [pltpu.async_copy(emb_hbm.at[idx_v.at[0]], bufs[0], sem)]
            for j in range(1, K):
                handles.append(
                    pltpu.async_copy(w_hbm.at[idx_v.at[j]], bufs[j], sem)
                )
            for h in handles:
                h.wait()

            def row_body(r, carry2):
                e = [bufs[0][r, pl.ds(k * _LANES, _LANES)] for k in range(n_vr)]
                for j in range(1, K):
                    w0 = bufs[j][r, pl.ds(0, _LANES)]
                    acc = e[0] * w0
                    for k in range(1, n_vr):
                        acc = acc + e[k] * bufs[j][r, pl.ds(k * _LANES, _LANES)]
                    part_v[r, j - 1] = acc
                return carry2

            lax.fori_loop(0, _CHUNK, row_body, 0)
            pltpu.sync_copy(part_v, out_hbm.at[pl.ds(base, _CHUNK)])
            return carry

        lax.fori_loop(0, n_chunks, chunk_body, 0)

    return sc


def _make_tc_loss(B, NEG, BK):

    def body(p_ref, o_ref):
        @pl.when(pl.program_id(0) == 0)
        def _():
            o_ref[...] = jnp.zeros_like(o_ref)

        x = p_ref[...]
        rows = lax.broadcasted_iota(jnp.int32, (_SLOTS * _LANES, _SLOTS), 0)
        cols = lax.broadcasted_iota(jnp.int32, (_SLOTS * _LANES, _SLOTS), 1)
        m = (rows // _LANES == cols).astype(jnp.float32)
        z = jax.lax.dot_general(
            x, m, (((1,), (0,)), ((), ())), preferred_element_type=jnp.float32
        )
        col = lax.broadcasted_iota(jnp.int32, z.shape, 1)
        t = jnp.where(col == 0, z, -z)
        ls = jnp.log(jax.nn.sigmoid(t))
        ls = jnp.where(col <= NEG, ls, 0.0)
        o_ref[...] = o_ref[...] + (-jnp.sum(ls) / jnp.float32(B))

    return pl.pallas_call(
        body,
        grid=(B // BK,),
        in_specs=[pl.BlockSpec((BK, _SLOTS * _LANES), lambda i: (i, 0))],
        out_specs=pl.BlockSpec((1, 1), lambda i: (0, 0)),
        out_shape=jax.ShapeDtypeStruct((1, 1), jnp.float32),
    )


def kernel(x, targets, negatives, emb_table, out_weight):
    B = x.shape[0]
    NEG = negatives.shape[1]
    D = emb_table.shape[1]
    all_idx = jnp.concatenate(
        [
            x.astype(jnp.int32)[None, :],
            targets.astype(jnp.int32)[None, :],
            negatives.astype(jnp.int32).T,
        ],
        axis=0,
    )
    parts = _make_sc_dots(B, D, NEG + 2)(all_idx, emb_table, out_weight)
    parts2d = jnp.reshape(parts, (B, _SLOTS * _LANES))
    loss = _make_tc_loss(B, NEG, 2048)(parts2d)
    return loss[0, 0]

# --- scband reference (transcript-rebuilt; emitter-appended) ---
"""Pipeline reference for scband-skip-gram-12120397709444 (READ-ONLY COPY).

The authoritative reference and input builder live on the scoring server;
editing this copy changes nothing except your own understanding.
"""

import jax, jax.numpy as jnp
import numpy as np

VOCAB = 1000000
DIM = 64
B = 16384
NEG = 10

def setup_inputs(seed: int = 0) -> dict:
    key = jax.random.key(seed)
    k1, k2, k3, k4, k5 = jax.random.split(key, 5)
    x = jax.random.randint(k1, (B,), 0, VOCAB, dtype=jnp.int64) if jax.config.jax_enable_x64 else jax.random.randint(k1, (B,), 0, VOCAB).astype(jnp.int32)
    targets = jax.random.randint(k2, (B,), 0, VOCAB).astype(x.dtype)
    negatives = jax.random.randint(k3, (B, NEG), 0, VOCAB).astype(x.dtype)
    emb_table = jax.random.normal(k4, (VOCAB, DIM), dtype=jnp.float32) * 0.02
    out_weight = jax.random.normal(k5, (VOCAB, DIM), dtype=jnp.float32) * 0.02
    return {"x": x, "targets": targets, "negatives": negatives, "emb_table": emb_table, "out_weight": out_weight}

def reference(x, targets, negatives, emb_table, out_weight):
    # emb = self.embeddings(x)
    emb = jnp.take(emb_table, x, axis=0)  # [B, D]
    # pos_loss = log(sigmoid(sum(emb * W[targets], dim=1)))
    w_pos = jnp.take(out_weight, targets, axis=0)  # [B, D]
    pos_loss = jnp.log(jax.nn.sigmoid(jnp.sum(emb * w_pos, axis=1)))  # [B]
    # neg_loss = log(sigmoid(-sum(emb.unsqueeze(1) * W[negatives], dim=2)))
    w_neg = jnp.take(out_weight, negatives, axis=0)  # [B, NEG, D]
    neg_loss = jnp.log(jax.nn.sigmoid(-jnp.sum(emb[:, None, :] * w_neg, axis=2)))  # [B, NEG]
    loss = -(pos_loss + neg_loss.sum(axis=1)).mean()
    return loss

if __name__ == "__main__":
    import jax
    _d = setup_inputs()
    print(jax.jit(kernel)(*tuple(_d.values())))

</pallas_src>

<mosaic_0001>
#map = affine_map<(d0, d1) -> (0, 0)>
#map1 = affine_map<(d0, d1) -> (0, 0, 0)>
module attributes {stable_mosaic.version = 14 : i64} {
  func.func @sc(%arg0: i32, %arg1: i32, %arg2: memref<12x16384xi32, #tpu.memory_space<hbm>>, %arg3: memref<1000000x64xf32, #tpu.memory_space<hbm>>, %arg4: memref<1000000x64xf32, #tpu.memory_space<hbm>>, %arg5: memref<16384x16x16xf32, #tpu.memory_space<hbm>>, %arg6: memref<12x64xi32, #tpu.memory_space<vmem>>, %arg7: memref<64x64xf32, #tpu.memory_space<vmem>>, %arg8: memref<64x64xf32, #tpu.memory_space<vmem>>, %arg9: memref<64x64xf32, #tpu.memory_space<vmem>>, %arg10: memref<64x64xf32, #tpu.memory_space<vmem>>, %arg11: memref<64x64xf32, #tpu.memory_space<vmem>>, %arg12: memref<64x64xf32, #tpu.memory_space<vmem>>, %arg13: memref<64x64xf32, #tpu.memory_space<vmem>>, %arg14: memref<64x64xf32, #tpu.memory_space<vmem>>, %arg15: memref<64x64xf32, #tpu.memory_space<vmem>>, %arg16: memref<64x64xf32, #tpu.memory_space<vmem>>, %arg17: memref<64x64xf32, #tpu.memory_space<vmem>>, %arg18: memref<64x64xf32, #tpu.memory_space<vmem>>, %arg19: memref<64x16x16xf32, #tpu.memory_space<vmem>>, %arg20: memref<!tpu.dma_semaphore, #tpu.memory_space<semaphore_mem>>) attributes {dimension_semantics = [#tpu.dimension_semantics<core_parallel>, #tpu.dimension_semantics<subcore_parallel>], iteration_bounds = array<i64: 2, 16>, scalar_prefetch = 0 : i64, scratch_operands = 15 : i64, tpu.core_type = #tpu.core_type<sc_vector_subcore>, window_params = [{transform_indices = #map}, {transform_indices = #map}, {transform_indices = #map}, {transform_indices = #map1}]} {
    %mul3A = arith.constant 2 : i32
    %mul3A_0 = arith.muli %arg1, %mul3A : i32
    %add3A = arith.addi %mul3A_0, %arg0 : i32
    %mul3A_1 = arith.constant 512 : i32
    %mul3A_2 = arith.muli %add3A, %mul3A_1 : i32
    %broadcast_in_dim3A = arith.constant 0.000000e+00 : f32
    %broadcast_in_dim3A_3 = vector.broadcast %broadcast_in_dim3A : f32 to vector<16xf32>
    %scan3A = arith.constant 0 : i32
    %scan3A_4 = arith.constant 0 : i32
    %scan3A_5 = arith.constant 64 : i32
    %scan3A_6 = arith.addi %scan3A_4, %scan3A_5 : i32
    %scan3A_7 = arith.constant 1 : i32
    scf.for %scan3A_15 = %scan3A_4 to %scan3A_6 step %scan3A_7  : i32 {
      %swap3A = arith.constant 11 : i32
      %swap3A_16 = arith.index_cast %scan3A_15 : i32 to index
      %swap3A_17 = arith.index_cast %swap3A : i32 to index
      %swap3A_18 = arith.constant 0 : index
      %swap3A_19 = tpu.vector_load %arg19[%swap3A_16, %swap3A_17, %swap3A_18] {strides = array<i32>} : memref<64x16x16xf32, #tpu.memory_space<vmem>>, vector<16xf32>,
      tpu.vector_store %arg19[%swap3A_16, %swap3A_17, %swap3A_18], %broadcast_in_dim3A_3 {strides = array<i32>} : memref<64x16x16xf32, #tpu.memory_space<vmem>>, vector<16xf32>,
      %swap3A_20 = arith.constant 12 : i32
      %swap3A_21 = arith.index_cast %scan3A_15 : i32 to index
      %swap3A_22 = arith.index_cast %swap3A_20 : i32 to index
      %swap3A_23 = arith.constant 0 : index
      %swap3A_24 = tpu.vector_load %arg19[%swap3A_21, %swap3A_22, %swap3A_23] {strides = array<i32>} : memref<64x16x16xf32, #tpu.memory_space<vmem>>, vector<16xf32>,
      tpu.vector_store %arg19[%swap3A_21, %swap3A_22, %swap3A_23], %broadcast_in_dim3A_3 {strides = array<i32>} : memref<64x16x16xf32, #tpu.memory_space<vmem>>, vector<16xf32>,
      %swap3A_25 = arith.constant 13 : i32
      %swap3A_26 = arith.index_cast %scan3A_15 : i32 to index
      %swap3A_27 = arith.index_cast %swap3A_25 : i32 to index
      %swap3A_28 = arith.constant 0 : index
      %swap3A_29 = tpu.vector_load %arg19[%swap3A_26, %swap3A_27, %swap3A_28] {strides = array<i32>} : memref<64x16x16xf32, #tpu.memory_space<vmem>>, vector<16xf32>,
      tpu.vector_store %arg19[%swap3A_26, %swap3A_27, %swap3A_28], %broadcast_in_dim3A_3 {strides = array<i32>} : memref<64x16x16xf32, #tpu.memory_space<vmem>>, vector<16xf32>,
      %swap3A_30 = arith.constant 14 : i32
      %swap3A_31 = arith.index_cast %scan3A_15 : i32 to index
      %swap3A_32 = arith.index_cast %swap3A_30 : i32 to index
      %swap3A_33 = arith.constant 0 : index
      %swap3A_34 = tpu.vector_load %arg19[%swap3A_31, %swap3A_32, %swap3A_33] {strides = array<i32>} : memref<64x16x16xf32, #tpu.memory_space<vmem>>, vector<16xf32>,
      tpu.vector_store %arg19[%swap3A_31, %swap3A_32, %swap3A_33], %broadcast_in_dim3A_3 {strides = array<i32>} : memref<64x16x16xf32, #tpu.memory_space<vmem>>, vector<16xf32>,
      %swap3A_35 = arith.constant 15 : i32
      %swap3A_36 = arith.index_cast %scan3A_15 : i32 to index
      %swap3A_37 = arith.index_cast %swap3A_35 : i32 to index
      %swap3A_38 = arith.constant 0 : index
      %swap3A_39 = tpu.vector_load %arg19[%swap3A_36, %swap3A_37, %swap3A_38] {strides = array<i32>} : memref<64x16x16xf32, #tpu.memory_space<vmem>>, vector<16xf32>,
      tpu.vector_store %arg19[%swap3A_36, %swap3A_37, %swap3A_38], %broadcast_in_dim3A_3 {strides = array<i32>} : memref<64x16x16xf32, #tpu.memory_space<vmem>>, vector<16xf32>,
    }
    %scan3A_8 = arith.constant 64 : i32
    %scan3A_9 = arith.constant 0 : i32
    %scan3A_10 = arith.constant 0 : i32
    %scan3A_11 = arith.constant 8 : i32
    %scan3A_12 = arith.addi %scan3A_10, %scan3A_11 : i32
    %scan3A_13 = arith.constant 1 : i32
    scf.for %scan3A_15 = %scan3A_10 to %scan3A_12 step %scan3A_13  : i32 {
      %mul3A_16 = arith.constant 64 : i32
      %mul3A_17 = arith.muli %scan3A_15, %mul3A_16 : i32
      %add3A_18 = arith.addi %mul3A_2, %mul3A_17 : i32
      "tpu.region"() ({
        %run_scoped3A = tpu.sem_alloc : memref<!tpu.dma_semaphore, #tpu.memory_space<semaphore_mem>>
        %dma_start3A_191 = arith.constant 0 : i32
        %dma_start3A_192 = tpu.memref_slice %arg2[%dma_start3A_191, %add3A_18] : memref<12x16384xi32, #tpu.memory_space<hbm>> -> memref<12x64xi32, #tpu.memory_space<hbm>>
        %dma_start3A_193 = arith.constant 0 : i32
        %dma_start3A_194 = tpu.memref_slice %arg2[%dma_start3A_193, %add3A_18] : memref<12x16384xi32, #tpu.memory_space<hbm>> -> memref<12x64xi32, #tpu.memory_space<hbm>>
        tpu.enqueue_dma source(%dma_start3A_194 : memref<12x64xi32, #tpu.memory_space<hbm>>) target(%arg6 : memref<12x64xi32, #tpu.memory_space<vmem>>) target_semaphore(%run_scoped3A : memref<!tpu.dma_semaphore, #tpu.memory_space<semaphore_mem>>)
        %dma_wait3A_195 = arith.constant 0 : i32
        %dma_wait3A_196 = tpu.memref_slice %arg2[%dma_wait3A_195, %add3A_18] : memref<12x16384xi32, #tpu.memory_space<hbm>> -> memref<12x64xi32, #tpu.memory_space<hbm>>
        %dma_wait3A_197 = arith.constant 0 : i32
        %dma_wait3A_198 = tpu.memref_slice %arg2[%dma_wait3A_197, %add3A_18] : memref<12x16384xi32, #tpu.memory_space<hbm>> -> memref<12x64xi32, #tpu.memory_space<hbm>>
        tpu.wait_dma2 semaphore(%run_scoped3A : memref<!tpu.dma_semaphore, #tpu.memory_space<semaphore_mem>>) src(%dma_wait3A_198 : memref<12x64xi32, #tpu.memory_space<hbm>>) dst(%arg6 : memref<12x64xi32, #tpu.memory_space<vmem>>)
        tpu.yield
      }) : () -> ()
      %dma_start3A = arith.constant 0 : i32
      %dma_start3A_19 = arith.constant 0 : i32
      %dma_start3A_20 = tpu.memref_slice %arg6[%dma_start3A, %dma_start3A_19] : memref<12x64xi32, #tpu.memory_space<vmem>> -> memref<1x64xi32, #tpu.memory_space<vmem>>
      %dma_start3A_21 = tpu.memref_squeeze %dma_start3A_20 : memref<1x64xi32, #tpu.memory_space<vmem>> -> memref<64xi32, #tpu.memory_space<vmem>>
      %dma_start3A_22 = arith.constant 0 : i32
      %dma_start3A_23 = arith.constant 0 : i32
      %dma_start3A_24 = tpu.memref_slice %arg3[%dma_start3A_22, %dma_start3A_23] : memref<1000000x64xf32, #tpu.memory_space<hbm>> -> memref<1000000x64xf32, #tpu.memory_space<hbm>>
      tpu.enqueue_indirect_dma source(%dma_start3A_24 : memref<1000000x64xf32, #tpu.memory_space<hbm>>) target(%arg7 : memref<64x64xf32, #tpu.memory_space<vmem>>) offsets(%dma_start3A_21 : memref<64xi32, #tpu.memory_space<vmem>>) semaphore(%arg20 : memref<!tpu.dma_semaphore, #tpu.memory_space<semaphore_mem>>)
      %dma_start3A_25 = arith.constant 1 : i32
      %dma_start3A_26 = arith.constant 0 : i32
      %dma_start3A_27 = tpu.memref_slice %arg6[%dma_start3A_25, %dma_start3A_26] : memref<12x64xi32, #tpu.memory_space<vmem>> -> memref<1x64xi32, #tpu.memory_space<vmem>>
      %dma_start3A_28 = tpu.memref_squeeze %dma_start3A_27 : memref<1x64xi32, #tpu.memory_space<vmem>> -> memref<64xi32, #tpu.memory_space<vmem>>
      %dma_start3A_29 = arith.constant 0 : i32
      %dma_start3A_30 = arith.constant 0 : i32
      %dma_start3A_31 = tpu.memref_slice %arg4[%dma_start3A_29, %dma_start3A_30] : memref<1000000x64xf32, #tpu.memory_space<hbm>> -> memref<1000000x64xf32, #tpu.memory_space<hbm>>
      tpu.enqueue_indirect_dma source(%dma_start3A_31 : memref<1000000x64xf32, #tpu.memory_space<hbm>>) target(%arg8 : memref<64x64xf32, #tpu.memory_space<vmem>>) offsets(%dma_start3A_28 : memref<64xi32, #tpu.memory_space<vmem>>) semaphore(%arg20 : memref<!tpu.dma_semaphore, #tpu.memory_space<semaphore_mem>>)
      %dma_start3A_32 = arith.constant 2 : i32
      %dma_start3A_33 = arith.constant 0 : i32
      %dma_start3A_34 = tpu.memref_slice %arg6[%dma_start3A_32, %dma_start3A_33] : memref<12x64xi32, #tpu.memory_space<vmem>> -> memref<1x64xi32, #tpu.memory_space<vmem>>
      %dma_start3A_35 = tpu.memref_squeeze %dma_start3A_34 : memref<1x64xi32, #tpu.memory_space<vmem>> -> memref<64xi32, #tpu.memory_space<vmem>>
      %dma_start3A_36 = arith.constant 0 : i32
      %dma_start3A_37 = arith.constant 0 : i32
      %dma_start3A_38 = tpu.memref_slice %arg4[%dma_start3A_36, %dma_start3A_37] : memref<1000000x64xf32, #tpu.memory_space<hbm>> -> memref<1000000x64xf32, #tpu.memory_space<hbm>>
      tpu.enqueue_indirect_dma source(%dma_start3A_38 : memref<1000000x64xf32, #tpu.memory_space<hbm>>) target(%arg9 : memref<64x64xf32, #tpu.memory_space<vmem>>) offsets(%dma_start3A_35 : memref<64xi32, #tpu.memory_space<vmem>>) semaphore(%arg20 : memref<!tpu.dma_semaphore, #tpu.memory_space<semaphore_mem>>)
      %dma_start3A_39 = arith.constant 3 : i32
      %dma_start3A_40 = arith.constant 0 : i32
      %dma_start3A_41 = tpu.memref_slice %arg6[%dma_start3A_39, %dma_start3A_40] : memref<12x64xi32, #tpu.memory_space<vmem>> -> memref<1x64xi32, #tpu.memory_space<vmem>>
      %dma_start3A_42 = tpu.memref_squeeze %dma_start3A_41 : memref<1x64xi32, #tpu.memory_space<vmem>> -> memref<64xi32, #tpu.memory_space<vmem>>
      %dma_start3A_43 = arith.constant 0 : i32
      %dma_start3A_44 = arith.constant 0 : i32
      %dma_start3A_45 = tpu.memref_slice %arg4[%dma_start3A_43, %dma_start3A_44] : memref<1000000x64xf32, #tpu.memory_space<hbm>> -> memref<1000000x64xf32, #tpu.memory_space<hbm>>
      tpu.enqueue_indirect_dma source(%dma_start3A_45 : memref<1000000x64xf32, #tpu.memory_space<hbm>>) target(%arg10 : memref<64x64xf32, #tpu.memory_space<vmem>>) offsets(%dma_start3A_42 : memref<64xi32, #tpu.memory_space<vmem>>) semaphore(%arg20 : memref<!tpu.dma_semaphore, #tpu.memory_space<semaphore_mem>>)
      %dma_start3A_46 = arith.constant 4 : i32
      %dma_start3A_47 = arith.constant 0 : i32
      %dma_start3A_48 = tpu.memref_slice %arg6[%dma_start3A_46, %dma_start3A_47] : memref<12x64xi32, #tpu.memory_space<vmem>> -> memref<1x64xi32, #tpu.memory_space<vmem>>
      %dma_start3A_49 = tpu.memref_squeeze %dma_start3A_48 : memref<1x64xi32, #tpu.memory_space<vmem>> -> memref<64xi32, #tpu.memory_space<vmem>>
      %dma_start3A_50 = arith.constant 0 : i32
      %dma_start3A_51 = arith.constant 0 : i32
      %dma_start3A_52 = tpu.memref_slice %arg4[%dma_start3A_50, %dma_start3A_51] : memref<1000000x64xf32, #tpu.memory_space<hbm>> -> memref<1000000x64xf32, #tpu.memory_space<hbm>>
      tpu.enqueue_indirect_dma source(%dma_start3A_52 : memref<1000000x64xf32, #tpu.memory_space<hbm>>) target(%arg11 : memref<64x64xf32, #tpu.memory_space<vmem>>) offsets(%dma_start3A_49 : memref<64xi32, #tpu.memory_space<vmem>>) semaphore(%arg20 : memref<!tpu.dma_semaphore, #tpu.memory_space<semaphore_mem>>)
      %dma_start3A_53 = arith.constant 5 : i32
      %dma_start3A_54 = arith.constant 0 : i32
      %dma_start3A_55 = tpu.memref_slice %arg6[%dma_start3A_53, %dma_start3A_54] : memref<12x64xi32, #tpu.memory_space<vmem>> -> memref<1x64xi32, #tpu.memory_space<vmem>>
      %dma_start3A_56 = tpu.memref_squeeze %dma_start3A_55 : memref<1x64xi32, #tpu.memory_space<vmem>> -> memref<64xi32, #tpu.memory_space<vmem>>
      %dma_start3A_57 = arith.constant 0 : i32
      %dma_start3A_58 = arith.constant 0 : i32
      %dma_start3A_59 = tpu.memref_slice %arg4[%dma_start3A_57, %dma_start3A_58] : memref<1000000x64xf32, #tpu.memory_space<hbm>> -> memref<1000000x64xf32, #tpu.memory_space<hbm>>
      tpu.enqueue_indirect_dma source(%dma_start3A_59 : memref<1000000x64xf32, #tpu.memory_space<hbm>>) target(%arg12 : memref<64x64xf32, #tpu.memory_space<vmem>>) offsets(%dma_start3A_56 : memref<64xi32, #tpu.memory_space<vmem>>) semaphore(%arg20 : memref<!tpu.dma_semaphore, #tpu.memory_space<semaphore_mem>>)
      %dma_start3A_60 = arith.constant 6 : i32
      %dma_start3A_61 = arith.constant 0 : i32
      %dma_start3A_62 = tpu.memref_slice %arg6[%dma_start3A_60, %dma_start3A_61] : memref<12x64xi32, #tpu.memory_space<vmem>> -> memref<1x64xi32, #tpu.memory_space<vmem>>
      %dma_start3A_63 = tpu.memref_squeeze %dma_start3A_62 : memref<1x64xi32, #tpu.memory_space<vmem>> -> memref<64xi32, #tpu.memory_space<vmem>>
      %dma_start3A_64 = arith.constant 0 : i32
      %dma_start3A_65 = arith.constant 0 : i32
      %dma_start3A_66 = tpu.memref_slice %arg4[%dma_start3A_64, %dma_start3A_65] : memref<1000000x64xf32, #tpu.memory_space<hbm>> -> memref<1000000x64xf32, #tpu.memory_space<hbm>>
      tpu.enqueue_indirect_dma source(%dma_start3A_66 : memref<1000000x64xf32, #tpu.memory_space<hbm>>) target(%arg13 : memref<64x64xf32, #tpu.memory_space<vmem>>) offsets(%dma_start3A_63 : memref<64xi32, #tpu.memory_space<vmem>>) semaphore(%arg20 : memref<!tpu.dma_semaphore, #tpu.memory_space<semaphore_mem>>)
      %dma_start3A_67 = arith.constant 7 : i32
      %dma_start3A_68 = arith.constant 0 : i32
      %dma_start3A_69 = tpu.memref_slice %arg6[%dma_start3A_67, %dma_start3A_68] : memref<12x64xi32, #tpu.memory_space<vmem>> -> memref<1x64xi32, #tpu.memory_space<vmem>>
      %dma_start3A_70 = tpu.memref_squeeze %dma_start3A_69 : memref<1x64xi32, #tpu.memory_space<vmem>> -> memref<64xi32, #tpu.memory_space<vmem>>
      %dma_start3A_71 = arith.constant 0 : i32
      %dma_start3A_72 = arith.constant 0 : i32
      %dma_start3A_73 = tpu.memref_slice %arg4[%dma_start3A_71, %dma_start3A_72] : memref<1000000x64xf32, #tpu.memory_space<hbm>> -> memref<1000000x64xf32, #tpu.memory_space<hbm>>
      tpu.enqueue_indirect_dma source(%dma_start3A_73 : memref<1000000x64xf32, #tpu.memory_space<hbm>>) target(%arg14 : memref<64x64xf32, #tpu.memory_space<vmem>>) offsets(%dma_start3A_70 : memref<64xi32, #tpu.memory_space<vmem>>) semaphore(%arg20 : memref<!tpu.dma_semaphore, #tpu.memory_space<semaphore_mem>>)
      %dma_start3A_74 = arith.constant 8 : i32
      %dma_start3A_75 = arith.constant 0 : i32
      %dma_start3A_76 = tpu.memref_slice %arg6[%dma_start3A_74, %dma_start3A_75] : memref<12x64xi32, #tpu.memory_space<vmem>> -> memref<1x64xi32, #tpu.memory_space<vmem>>
      %dma_start3A_77 = tpu.memref_squeeze %dma_start3A_76 : memref<1x64xi32, #tpu.memory_space<vmem>> -> memref<64xi32, #tpu.memory_space<vmem>>
      %dma_start3A_78 = arith.constant 0 : i32
      %dma_start3A_79 = arith.constant 0 : i32
      %dma_start3A_80 = tpu.memref_slice %arg4[%dma_start3A_78, %dma_start3A_79] : memref<1000000x64xf32, #tpu.memory_space<hbm>> -> memref<1000000x64xf32, #tpu.memory_space<hbm>>
      tpu.enqueue_indirect_dma source(%dma_start3A_80 : memref<1000000x64xf32, #tpu.memory_space<hbm>>) target(%arg15 : memref<64x64xf32, #tpu.memory_space<vmem>>) offsets(%dma_start3A_77 : memref<64xi32, #tpu.memory_space<vmem>>) semaphore(%arg20 : memref<!tpu.dma_semaphore, #tpu.memory_space<semaphore_mem>>)
      %dma_start3A_81 = arith.constant 9 : i32
      %dma_start3A_82 = arith.constant 0 : i32
      %dma_start3A_83 = tpu.memref_slice %arg6[%dma_start3A_81, %dma_start3A_82] : memref<12x64xi32, #tpu.memory_space<vmem>> -> memref<1x64xi32, #tpu.memory_space<vmem>>
      %dma_start3A_84 = tpu.memref_squeeze %dma_start3A_83 : memref<1x64xi32, #tpu.memory_space<vmem>> -> memref<64xi32, #tpu.memory_space<vmem>>
      %dma_start3A_85 = arith.constant 0 : i32
      %dma_start3A_86 = arith.constant 0 : i32
      %dma_start3A_87 = tpu.memref_slice %arg4[%dma_start3A_85, %dma_start3A_86] : memref<1000000x64xf32, #tpu.memory_space<hbm>> -> memref<1000000x64xf32, #tpu.memory_space<hbm>>
      tpu.enqueue_indirect_dma source(%dma_start3A_87 : memref<1000000x64xf32, #tpu.memory_space<hbm>>) target(%arg16 : memref<64x64xf32, #tpu.memory_space<vmem>>) offsets(%dma_start3A_84 : memref<64xi32, #tpu.memory_space<vmem>>) semaphore(%arg20 : memref<!tpu.dma_semaphore, #tpu.memory_space<semaphore_mem>>)
      %dma_start3A_88 = arith.constant 10 : i32
      %dma_start3A_89 = arith.constant 0 : i32
      %dma_start3A_90 = tpu.memref_slice %arg6[%dma_start3A_88, %dma_start3A_89] : memref<12x64xi32, #tpu.memory_space<vmem>> -> memref<1x64xi32, #tpu.memory_space<vmem>>
      %dma_start3A_91 = tpu.memref_squeeze %dma_start3A_90 : memref<1x64xi32, #tpu.memory_space<vmem>> -> memref<64xi32, #tpu.memory_space<vmem>>
      %dma_start3A_92 = arith.constant 0 : i32
      %dma_start3A_93 = arith.constant 0 : i32
      %dma_start3A_94 = tpu.memref_slice %arg4[%dma_start3A_92, %dma_start3A_93] : memref<1000000x64xf32, #tpu.memory_space<hbm>> -> memref<1000000x64xf32, #tpu.memory_space<hbm>>
      tpu.enqueue_indirect_dma source(%dma_start3A_94 : memref<1000000x64xf32, #tpu.memory_space<hbm>>) target(%arg17 : memref<64x64xf32, #tpu.memory_space<vmem>>) offsets(%dma_start3A_91 : memref<64xi32, #tpu.memory_space<vmem>>) semaphore(%arg20 : memref<!tpu.dma_semaphore, #tpu.memory_space<semaphore_mem>>)
      %dma_start3A_95 = arith.constant 11 : i32
      %dma_start3A_96 = arith.constant 0 : i32
      %dma_start3A_97 = tpu.memref_slice %arg6[%dma_start3A_95, %dma_start3A_96] : memref<12x64xi32, #tpu.memory_space<vmem>> -> memref<1x64xi32, #tpu.memory_space<vmem>>
      %dma_start3A_98 = tpu.memref_squeeze %dma_start3A_97 : memref<1x64xi32, #tpu.memory_space<vmem>> -> memref<64xi32, #tpu.memory_space<vmem>>
      %dma_start3A_99 = arith.constant 0 : i32
      %dma_start3A_100 = arith.constant 0 : i32
      %dma_start3A_101 = tpu.memref_slice %arg4[%dma_start3A_99, %dma_start3A_100] : memref<1000000x64xf32, #tpu.memory_space<hbm>> -> memref<1000000x64xf32, #tpu.memory_space<hbm>>
      tpu.enqueue_indirect_dma source(%dma_start3A_101 : memref<1000000x64xf32, #tpu.memory_space<hbm>>) target(%arg18 : memref<64x64xf32, #tpu.memory_space<vmem>>) offsets(%dma_start3A_98 : memref<64xi32, #tpu.memory_space<vmem>>) semaphore(%arg20 : memref<!tpu.dma_semaphore, #tpu.memory_space<semaphore_mem>>)
      %dma_wait3A = arith.constant 0 : i32
      %dma_wait3A_102 = arith.constant 0 : i32
      %dma_wait3A_103 = tpu.memref_slice %arg6[%dma_wait3A, %dma_wait3A_102] : memref<12x64xi32, #tpu.memory_space<vmem>> -> memref<1x64xi32, #tpu.memory_space<vmem>>
      %dma_wait3A_104 = tpu.memref_squeeze %dma_wait3A_103 : memref<1x64xi32, #tpu.memory_space<vmem>> -> memref<64xi32, #tpu.memory_space<vmem>>
      %dma_wait3A_105 = arith.constant 0 : i32
      %dma_wait3A_106 = arith.constant 0 : i32
      %dma_wait3A_107 = tpu.memref_slice %arg3[%dma_wait3A_105, %dma_wait3A_106] : memref<1000000x64xf32, #tpu.memory_space<hbm>> -> memref<1000000x64xf32, #tpu.memory_space<hbm>>
      tpu.wait_indirect_dma semaphore(%arg20 : memref<!tpu.dma_semaphore, #tpu.memory_space<semaphore_mem>>) src(%dma_wait3A_107 : memref<1000000x64xf32, #tpu.memory_space<hbm>>) dst(%arg7 : memref<64x64xf32, #tpu.memory_space<vmem>>)
      %dma_wait3A_108 = arith.constant 1 : i32
      %dma_wait3A_109 = arith.constant 0 : i32
      %dma_wait3A_110 = tpu.memref_slice %arg6[%dma_wait3A_108, %dma_wait3A_109] : memref<12x64xi32, #tpu.memory_space<vmem>> -> memref<1x64xi32, #tpu.memory_space<vmem>>
      %dma_wait3A_111 = tpu.memref_squeeze %dma_wait3A_110 : memref<1x64xi32, #tpu.memory_space<vmem>> -> memref<64xi32, #tpu.memory_space<vmem>>
      %dma_wait3A_112 = arith.constant 0 : i32
      %dma_wait3A_113 = arith.constant 0 : i32
      %dma_wait3A_114 = tpu.memref_slice %arg4[%dma_wait3A_112, %dma_wait3A_113] : memref<1000000x64xf32, #tpu.memory_space<hbm>> -> memref<1000000x64xf32, #tpu.memory_space<hbm>>
      tpu.wait_indirect_dma semaphore(%arg20 : memref<!tpu.dma_semaphore, #tpu.memory_space<semaphore_mem>>) src(%dma_wait3A_114 : memref<1000000x64xf32, #tpu.memory_space<hbm>>) dst(%arg8 : memref<64x64xf32, #tpu.memory_space<vmem>>)
      %dma_wait3A_115 = arith.constant 2 : i32
      %dma_wait3A_116 = arith.constant 0 : i32
      %dma_wait3A_117 = tpu.memref_slice %arg6[%dma_wait3A_115, %dma_wait3A_116] : memref<12x64xi32, #tpu.memory_space<vmem>> -> memref<1x64xi32, #tpu.memory_space<vmem>>
      %dma_wait3A_118 = tpu.memref_squeeze %dma_wait3A_117 : memref<1x64xi32, #tpu.memory_space<vmem>> -> memref<64xi32, #tpu.memory_space<vmem>>
      %dma_wait3A_119 = arith.constant 0 : i32
      %dma_wait3A_120 = arith.constant 0 : i32
      %dma_wait3A_121 = tpu.memref_slice %arg4[%dma_wait3A_119, %dma_wait3A_120] : memref<1000000x64xf32, #tpu.memory_space<hbm>> -> memref<1000000x64xf32, #tpu.memory_space<hbm>>
      tpu.wait_indirect_dma semaphore(%arg20 : memref<!tpu.dma_semaphore, #tpu.memory_space<semaphore_mem>>) src(%dma_wait3A_121 : memref<1000000x64xf32, #tpu.memory_space<hbm>>) dst(%arg9 : memref<64x64xf32, #tpu.memory_space<vmem>>)
      %dma_wait3A_122 = arith.constant 3 : i32
      %dma_wait3A_123 = arith.constant 0 : i32
      %dma_wait3A_124 = tpu.memref_slice %arg6[%dma_wait3A_122, %dma_wait3A_123] : memref<12x64xi32, #tpu.memory_space<vmem>> -> memref<1x64xi32, #tpu.memory_space<vmem>>
      %dma_wait3A_125 = tpu.memref_squeeze %dma_wait3A_124 : memref<1x64xi32, #tpu.memory_space<vmem>> -> memref<64xi32, #tpu.memory_space<vmem>>
      %dma_wait3A_126 = arith.constant 0 : i32
      %dma_wait3A_127 = arith.constant 0 : i32
      %dma_wait3A_128 = tpu.memref_slice %arg4[%dma_wait3A_126, %dma_wait3A_127] : memref<1000000x64xf32, #tpu.memory_space<hbm>> -> memref<1000000x64xf32, #tpu.memory_space<hbm>>
      tpu.wait_indirect_dma semaphore(%arg20 : memref<!tpu.dma_semaphore, #tpu.memory_space<semaphore_mem>>) src(%dma_wait3A_128 : memref<1000000x64xf32, #tpu.memory_space<hbm>>) dst(%arg10 : memref<64x64xf32, #tpu.memory_space<vmem>>)
      %dma_wait3A_129 = arith.constant 4 : i32
      %dma_wait3A_130 = arith.constant 0 : i32
      %dma_wait3A_131 = tpu.memref_slice %arg6[%dma_wait3A_129, %dma_wait3A_130] : memref<12x64xi32, #tpu.memory_space<vmem>> -> memref<1x64xi32, #tpu.memory_space<vmem>>
      %dma_wait3A_132 = tpu.memref_squeeze %dma_wait3A_131 : memref<1x64xi32, #tpu.memory_space<vmem>> -> memref<64xi32, #tpu.memory_space<vmem>>
      %dma_wait3A_133 = arith.constant 0 : i32
      %dma_wait3A_134 = arith.constant 0 : i32
      %dma_wait3A_135 = tpu.memref_slice %arg4[%dma_wait3A_133, %dma_wait3A_134] : memref<1000000x64xf32, #tpu.memory_space<hbm>> -> memref<1000000x64xf32, #tpu.memory_space<hbm>>
      tpu.wait_indirect_dma semaphore(%arg20 : memref<!tpu.dma_semaphore, #tpu.memory_space<semaphore_mem>>) src(%dma_wait3A_135 : memref<1000000x64xf32, #tpu.memory_space<hbm>>) dst(%arg11 : memref<64x64xf32, #tpu.memory_space<vmem>>)
      %dma_wait3A_136 = arith.constant 5 : i32
      %dma_wait3A_137 = arith.constant 0 : i32
      %dma_wait3A_138 = tpu.memref_slice %arg6[%dma_wait3A_136, %dma_wait3A_137] : memref<12x64xi32, #tpu.memory_space<vmem>> -> memref<1x64xi32, #tpu.memory_space<vmem>>
      %dma_wait3A_139 = tpu.memref_squeeze %dma_wait3A_138 : memref<1x64xi32, #tpu.memory_space<vmem>> -> memref<64xi32, #tpu.memory_space<vmem>>
      %dma_wait3A_140 = arith.constant 0 : i32
      %dma_wait3A_141 = arith.constant 0 : i32
      %dma_wait3A_142 = tpu.memref_slice %arg4[%dma_wait3A_140, %dma_wait3A_141] : memref<1000000x64xf32, #tpu.memory_space<hbm>> -> memref<1000000x64xf32, #tpu.memory_space<hbm>>
      tpu.wait_indirect_dma semaphore(%arg20 : memref<!tpu.dma_semaphore, #tpu.memory_space<semaphore_mem>>) src(%dma_wait3A_142 : memref<1000000x64xf32, #tpu.memory_space<hbm>>) dst(%arg12 : memref<64x64xf32, #tpu.memory_space<vmem>>)
      %dma_wait3A_143 = arith.constant 6 : i32
      %dma_wait3A_144 = arith.constant 0 : i32
      %dma_wait3A_145 = tpu.memref_slice %arg6[%dma_wait3A_143, %dma_wait3A_144] : memref<12x64xi32, #tpu.memory_space<vmem>> -> memref<1x64xi32, #tpu.memory_space<vmem>>
      %dma_wait3A_146 = tpu.memref_squeeze %dma_wait3A_145 : memref<1x64xi32, #tpu.memory_space<vmem>> -> memref<64xi32, #tpu.memory_space<vmem>>
      %dma_wait3A_147 = arith.constant 0 : i32
      %dma_wait3A_148 = arith.constant 0 : i32
      %dma_wait3A_149 = tpu.memref_slice %arg4[%dma_wait3A_147, %dma_wait3A_148] : memref<1000000x64xf32, #tpu.memory_space<hbm>> -> memref<1000000x64xf32, #tpu.memory_space<hbm>>
      tpu.wait_indirect_dma semaphore(%arg20 : memref<!tpu.dma_semaphore, #tpu.memory_space<semaphore_mem>>) src(%dma_wait3A_149 : memref<1000000x64xf32, #tpu.memory_space<hbm>>) dst(%arg13 : memref<64x64xf32, #tpu.memory_space<vmem>>)
      %dma_wait3A_150 = arith.constant 7 : i32
      %dma_wait3A_151 = arith.constant 0 : i32
      %dma_wait3A_152 = tpu.memref_slice %arg6[%dma_wait3A_150, %dma_wait3A_151] : memref<12x64xi32, #tpu.memory_space<vmem>> -> memref<1x64xi32, #tpu.memory_space<vmem>>
      %dma_wait3A_153 = tpu.memref_squeeze %dma_wait3A_152 : memref<1x64xi32, #tpu.memory_space<vmem>> -> memref<64xi32, #tpu.memory_space<vmem>>
      %dma_wait3A_154 = arith.constant 0 : i32
      %dma_wait3A_155 = arith.constant 0 : i32
      %dma_wait3A_156 = tpu.memref_slice %arg4[%dma_wait3A_154, %dma_wait3A_155] : memref<1000000x64xf32, #tpu.memory_space<hbm>> -> memref<1000000x64xf32, #tpu.memory_space<hbm>>
      tpu.wait_indirect_dma semaphore(%arg20 : memref<!tpu.dma_semaphore, #tpu.memory_space<semaphore_mem>>) src(%dma_wait3A_156 : memref<1000000x64xf32, #tpu.memory_space<hbm>>) dst(%arg14 : memref<64x64xf32, #tpu.memory_space<vmem>>)
      %dma_wait3A_157 = arith.constant 8 : i32
      %dma_wait3A_158 = arith.constant 0 : i32
      %dma_wait3A_159 = tpu.memref_slice %arg6[%dma_wait3A_157, %dma_wait3A_158] : memref<12x64xi32, #tpu.memory_space<vmem>> -> memref<1x64xi32, #tpu.memory_space<vmem>>
      %dma_wait3A_160 = tpu.memref_squeeze %dma_wait3A_159 : memref<1x64xi32, #tpu.memory_space<vmem>> -> memref<64xi32, #tpu.memory_space<vmem>>
      %dma_wait3A_161 = arith.constant 0 : i32
      %dma_wait3A_162 = arith.constant 0 : i32
      %dma_wait3A_163 = tpu.memref_slice %arg4[%dma_wait3A_161, %dma_wait3A_162] : memref<1000000x64xf32, #tpu.memory_space<hbm>> -> memref<1000000x64xf32, #tpu.memory_space<hbm>>
      tpu.wait_indirect_dma semaphore(%arg20 : memref<!tpu.dma_semaphore, #tpu.memory_space<semaphore_mem>>) src(%dma_wait3A_163 : memref<1000000x64xf32, #tpu.memory_space<hbm>>) dst(%arg15 : memref<64x64xf32, #tpu.memory_space<vmem>>)
      %dma_wait3A_164 = arith.constant 9 : i32
      %dma_wait3A_165 = arith.constant 0 : i32
      %dma_wait3A_166 = tpu.memref_slice %arg6[%dma_wait3A_164, %dma_wait3A_165] : memref<12x64xi32, #tpu.memory_space<vmem>> -> memref<1x64xi32, #tpu.memory_space<vmem>>
      %dma_wait3A_167 = tpu.memref_squeeze %dma_wait3A_166 : memref<1x64xi32, #tpu.memory_space<vmem>> -> memref<64xi32, #tpu.memory_space<vmem>>
      %dma_wait3A_168 = arith.constant 0 : i32
      %dma_wait3A_169 = arith.constant 0 : i32
      %dma_wait3A_170 = tpu.memref_slice %arg4[%dma_wait3A_168, %dma_wait3A_169] : memref<1000000x64xf32, #tpu.memory_space<hbm>> -> memref<1000000x64xf32, #tpu.memory_space<hbm>>
      tpu.wait_indirect_dma semaphore(%arg20 : memref<!tpu.dma_semaphore, #tpu.memory_space<semaphore_mem>>) src(%dma_wait3A_170 : memref<1000000x64xf32, #tpu.memory_space<hbm>>) dst(%arg16 : memref<64x64xf32, #tpu.memory_space<vmem>>)
      %dma_wait3A_171 = arith.constant 10 : i32
      %dma_wait3A_172 = arith.constant 0 : i32
      %dma_wait3A_173 = tpu.memref_slice %arg6[%dma_wait3A_171, %dma_wait3A_172] : memref<12x64xi32, #tpu.memory_space<vmem>> -> memref<1x64xi32, #tpu.memory_space<vmem>>
      %dma_wait3A_174 = tpu.memref_squeeze %dma_wait3A_173 : memref<1x64xi32, #tpu.memory_space<vmem>> -> memref<64xi32, #tpu.memory_space<vmem>>
      %dma_wait3A_175 = arith.constant 0 : i32
      %dma_wait3A_176 = arith.constant 0 : i32
      %dma_wait3A_177 = tpu.memref_slice %arg4[%dma_wait3A_175, %dma_wait3A_176] : memref<1000000x64xf32, #tpu.memory_space<hbm>> -> memref<1000000x64xf32, #tpu.memory_space<hbm>>
      tpu.wait_indirect_dma semaphore(%arg20 : memref<!tpu.dma_semaphore, #tpu.memory_space<semaphore_mem>>) src(%dma_wait3A_177 : memref<1000000x64xf32, #tpu.memory_space<hbm>>) dst(%arg17 : memref<64x64xf32, #tpu.memory_space<vmem>>)
      %dma_wait3A_178 = arith.constant 11 : i32
      %dma_wait3A_179 = arith.constant 0 : i32
      %dma_wait3A_180 = tpu.memref_slice %arg6[%dma_wait3A_178, %dma_wait3A_179] : memref<12x64xi32, #tpu.memory_space<vmem>> -> memref<1x64xi32, #tpu.memory_space<vmem>>
      %dma_wait3A_181 = tpu.memref_squeeze %dma_wait3A_180 : memref<1x64xi32, #tpu.memory_space<vmem>> -> memref<64xi32, #tpu.memory_space<vmem>>
      %dma_wait3A_182 = arith.constant 0 : i32
      %dma_wait3A_183 = arith.constant 0 : i32
      %dma_wait3A_184 = tpu.memref_slice %arg4[%dma_wait3A_182, %dma_wait3A_183] : memref<1000000x64xf32, #tpu.memory_space<hbm>> -> memref<1000000x64xf32, #tpu.memory_space<hbm>>
      tpu.wait_indirect_dma semaphore(%arg20 : memref<!tpu.dma_semaphore, #tpu.memory_space<semaphore_mem>>) src(%dma_wait3A_184 : memref<1000000x64xf32, #tpu.memory_space<hbm>>) dst(%arg18 : memref<64x64xf32, #tpu.memory_space<vmem>>)
      %scan3A_185 = arith.constant 0 : i32
      %scan3A_186 = arith.constant 0 : i32
      %scan3A_187 = arith.constant 64 : i32
      %scan3A_188 = arith.addi %scan3A_186, %scan3A_187 : i32
      %scan3A_189 = arith.constant 1 : i32
      scf.for %scan3A_191 = %scan3A_186 to %scan3A_188 step %scan3A_189  : i32 {
        %get3A = arith.index_cast %scan3A_191 : i32 to index
        %get3A_192 = arith.constant 0 : index
        %get3A_193 = tpu.vector_load %arg7[%get3A, %get3A_192] {strides = array<i32>} : memref<64x64xf32, #tpu.memory_space<vmem>>, vector<16xf32>,
        %get3A_194 = arith.index_cast %scan3A_191 : i32 to index
        %get3A_195 = arith.constant 16 : index
        %get3A_196 = tpu.vector_load %arg7[%get3A_194, %get3A_195] {strides = array<i32>} : memref<64x64xf32, #tpu.memory_space<vmem>>, vector<16xf32>,
        %get3A_197 = arith.index_cast %scan3A_191 : i32 to index
        %get3A_198 = arith.constant 32 : index
        %get3A_199 = tpu.vector_load %arg7[%get3A_197, %get3A_198] {strides = array<i32>} : memref<64x64xf32, #tpu.memory_space<vmem>>, vector<16xf32>,
        %get3A_200 = arith.index_cast %scan3A_191 : i32 to index
        %get3A_201 = arith.constant 48 : index
        %get3A_202 = tpu.vector_load %arg7[%get3A_200, %get3A_201] {strides = array<i32>} : memref<64x64xf32, #tpu.memory_space<vmem>>, vector<16xf32>,
        %get3A_203 = arith.index_cast %scan3A_191 : i32 to index
        %get3A_204 = arith.constant 0 : index
        %get3A_205 = tpu.vector_load %arg8[%get3A_203, %get3A_204] {strides = array<i32>} : memref<64x64xf32, #tpu.memory_space<vmem>>, vector<16xf32>,
        %mul3A_206 = arith.mulf %get3A_193, %get3A_205 : vector<16xf32>
        %get3A_207 = arith.index_cast %scan3A_191 : i32 to index
        %get3A_208 = arith.constant 16 : index
        %get3A_209 = tpu.vector_load %arg8[%get3A_207, %get3A_208] {strides = array<i32>} : memref<64x64xf32, #tpu.memory_space<vmem>>, vector<16xf32>,
        %mul3A_210 = arith.mulf %get3A_196, %get3A_209 : vector<16xf32>
        %add3A_211 = arith.addf %mul3A_206, %mul3A_210 : vector<16xf32>
        %get3A_212 = arith.index_cast %scan3A_191 : i32 to index
        %get3A_213 = arith.constant 32 : index
        %get3A_214 = tpu.vector_load %arg8[%get3A_212, %get3A_213] {strides = array<i32>} : memref<64x64xf32, #tpu.memory_space<vmem>>, vector<16xf32>,
        %mul3A_215 = arith.mulf %get3A_199, %get3A_214 : vector<16xf32>
        %add3A_216 = arith.addf %add3A_211, %mul3A_215 : vector<16xf32>
        %get3A_217 = arith.index_cast %scan3A_191 : i32 to index
        %get3A_218 = arith.constant 48 : index
        %get3A_219 = tpu.vector_load %arg8[%get3A_217, %get3A_218] {strides = array<i32>} : memref<64x64xf32, #tpu.memory_space<vmem>>, vector<16xf32>,
        %mul3A_220 = arith.mulf %get3A_202, %get3A_219 : vector<16xf32>
        %add3A_221 = arith.addf %add3A_216, %mul3A_220 : vector<16xf32>
        %swap3A = arith.constant 0 : i32
        %swap3A_222 = arith.index_cast %scan3A_191 : i32 to index
        %swap3A_223 = arith.index_cast %swap3A : i32 to index
        %swap3A_224 = arith.constant 0 : index
        %swap3A_225 = tpu.vector_load %arg19[%swap3A_222, %swap3A_223, %swap3A_224] {strides = array<i32>} : memref<64x16x16xf32, #tpu.memory_space<vmem>>, vector<16xf32>,
        tpu.vector_store %arg19[%swap3A_222, %swap3A_223, %swap3A_224], %add3A_221 {strides = array<i32>} : memref<64x16x16xf32, #tpu.memory_space<vmem>>, vector<16xf32>,
        %get3A_226 = arith.index_cast %scan3A_191 : i32 to index
        %get3A_227 = arith.constant 0 : index
        %get3A_228 = tpu.vector_load %arg9[%get3A_226, %get3A_227] {strides = array<i32>} : memref<64x64xf32, #tpu.memory_space<vmem>>, vector<16xf32>,
        %mul3A_229 = arith.mulf %get3A_193, %get3A_228 : vector<16xf32>
        %get3A_230 = arith.index_cast %scan3A_191 : i32 to index
        %get3A_231 = arith.constant 16 : index
        %get3A_232 = tpu.vector_load %arg9[%get3A_230, %get3A_231] {strides = array<i32>} : memref<64x64xf32, #tpu.memory_space<vmem>>, vector<16xf32>,
        %mul3A_233 = arith.mulf %get3A_196, %get3A_232 : vector<16xf32>
        %add3A_234 = arith.addf %mul3A_229, %mul3A_233 : vector<16xf32>
        %get3A_235 = arith.index_cast %scan3A_191 : i32 to index
        %get3A_236 = arith.constant 32 : index
        %get3A_237 = tpu.vector_load %arg9[%get3A_235, %get3A_236] {strides = array<i32>} : memref<64x64xf32, #tpu.memory_space<vmem>>, vector<16xf32>,
        %mul3A_238 = arith.mulf %get3A_199, %get3A_237 : vector<16xf32>
        %add3A_239 = arith.addf %add3A_234, %mul3A_238 : vector<16xf32>
        %get3A_240 = arith.index_cast %scan3A_191 : i32 to index
        %get3A_241 = arith.constant 48 : index
        %get3A_242 = tpu.vector_load %arg9[%get3A_240, %get3A_241] {strides = array<i32>} : memref<64x64xf32, #tpu.memory_space<vmem>>, vector<16xf32>,
        %mul3A_243 = arith.mulf %get3A_202, %get3A_242 : vector<16xf32>
        %add3A_244 = arith.addf %add3A_239, %mul3A_243 : vector<16xf32>
        %swap3A_245 = arith.constant 1 : i32
        %swap3A_246 = arith.index_cast %scan3A_191 : i32 to index
        %swap3A_247 = arith.index_cast %swap3A_245 : i32 to index
        %swap3A_248 = arith.constant 0 : index
        %swap3A_249 = tpu.vector_load %arg19[%swap3A_246, %swap3A_247, %swap3A_248] {strides = array<i32>} : memref<64x16x16xf32, #tpu.memory_space<vmem>>, vector<16xf32>,
        tpu.vector_store %arg19[%swap3A_246, %swap3A_247, %swap3A_248], %add3A_244 {strides = array<i32>} : memref<64x16x16xf32, #tpu.memory_space<vmem>>, vector<16xf32>,
        %get3A_250 = arith.index_cast %scan3A_191 : i32 to index
        %get3A_251 = arith.constant 0 : index
        %get3A_252 = tpu.vector_load %arg10[%get3A_250, %get3A_251] {strides = array<i32>} : memref<64x64xf32, #tpu.memory_space<vmem>>, vector<16xf32>,
        %mul3A_253 = arith.mulf %get3A_193, %get3A_252 : vector<16xf32>
        %get3A_254 = arith.index_cast %scan3A_191 : i32 to index
        %get3A_255 = arith.constant 16 : index
        %get3A_256 = tpu.vector_load %arg10[%get3A_254, %get3A_255] {strides = array<i32>} : memref<64x64xf32, #tpu.memory_space<vmem>>, vector<16xf32>,
        %mul3A_257 = arith.mulf %get3A_196, %get3A_256 : vector<16xf32>
        %add3A_258 = arith.addf %mul3A_253, %mul3A_257 : vector<16xf32>
        %get3A_259 = arith.index_cast %scan3A_191 : i32 to index
        %get3A_260 = arith.constant 32 : index
        %get3A_261 = tpu.vector_load %arg10[%get3A_259, %get3A_260] {strides = array<i32>} : memref<64x64xf32, #tpu.memory_space<vmem>>, vector<16xf32>,
        %mul3A_262 = arith.mulf %get3A_199, %get3A_261 : vector<16xf32>
        %add3A_263 = arith.addf %add3A_258, %mul3A_262 : vector<16xf32>
        %get3A_264 = arith.index_cast %scan3A_191 : i32 to index
        %get3A_265 = arith.constant 48 : index
        %get3A_266 = tpu.vector_load %arg10[%get3A_264, %get3A_265] {strides = array<i32>} : memref<64x64xf32, #tpu.memory_space<vmem>>, vector<16xf32>,
        %mul3A_267 = arith.mulf %get3A_202, %get3A_266 : vector<16xf32>
        %add3A_268 = arith.addf %add3A_263, %mul3A_267 : vector<16xf32>
        %swap3A_269 = arith.constant 2 : i32
        %swap3A_270 = arith.index_cast %scan3A_191 : i32 to index
        %swap3A_271 = arith.index_cast %swap3A_269 : i32 to index
        %swap3A_272 = arith.constant 0 : index
        %swap3A_273 = tpu.vector_load %arg19[%swap3A_270, %swap3A_271, %swap3A_272] {strides = array<i32>} : memref<64x16x16xf32, #tpu.memory_space<vmem>>, vector<16xf32>,
        tpu.vector_store %arg19[%swap3A_270, %swap3A_271, %swap3A_272], %add3A_268 {strides = array<i32>} : memref<64x16x16xf32, #tpu.memory_space<vmem>>, vector<16xf32>,
        %get3A_274 = arith.index_cast %scan3A_191 : i32 to index
        %get3A_275 = arith.constant 0 : index
        %get3A_276 = tpu.vector_load %arg11[%get3A_274, %get3A_275] {strides = array<i32>} : memref<64x64xf32, #tpu.memory_space<vmem>>, vector<16xf32>,
        %mul3A_277 = arith.mulf %get3A_193, %get3A_276 : vector<16xf32>
        %get3A_278 = arith.index_cast %scan3A_191 : i32 to index
        %get3A_279 = arith.constant 16 : index
        %get3A_280 = tpu.vector_load %arg11[%get3A_278, %get3A_279] {strides = array<i32>} : memref<64x64xf32, #tpu.memory_space<vmem>>, vector<16xf32>,
        %mul3A_281 = arith.mulf %get3A_196, %get3A_280 : vector<16xf32>
        %add3A_282 = arith.addf %mul3A_277, %mul3A_281 : vector<16xf32>
        %get3A_283 = arith.index_cast %scan3A_191 : i32 to index
        %get3A_284 = arith.constant 32 : index
        %get3A_285 = tpu.vector_load %arg11[%get3A_283, %get3A_284] {strides = array<i32>} : memref<64x64xf32, #tpu.memory_space<vmem>>, vector<16xf32>,
        %mul3A_286 = arith.mulf %get3A_199, %get3A_285 : vector<16xf32>
        %add3A_287 = arith.addf %add3A_282, %mul3A_286 : vector<16xf32>
        %get3A_288 = arith.index_cast %scan3A_191 : i32 to index
        %get3A_289 = arith.constant 48 : index
        %get3A_290 = tpu.vector_load %arg11[%get3A_288, %get3A_289] {strides = array<i32>} : memref<64x64xf32, #tpu.memory_space<vmem>>, vector<16xf32>,
        %mul3A_291 = arith.mulf %get3A_202, %get3A_290 : vector<16xf32>
        %add3A_292 = arith.addf %add3A_287, %mul3A_291 : vector<16xf32>
        %swap3A_293 = arith.constant 3 : i32
        %swap3A_294 = arith.index_cast %scan3A_191 : i32 to index
        %swap3A_295 = arith.index_cast %swap3A_293 : i32 to index
        %swap3A_296 = arith.constant 0 : index
        %swap3A_297 = tpu.vector_load %arg19[%swap3A_294, %swap3A_295, %swap3A_296] {strides = array<i32>} : memref<64x16x16xf32, #tpu.memory_space<vmem>>, vector<16xf32>,
        tpu.vector_store %arg19[%swap3A_294, %swap3A_295, %swap3A_296], %add3A_292 {strides = array<i32>} : memref<64x16x16xf32, #tpu.memory_space<vmem>>, vector<16xf32>,
        %get3A_298 = arith.index_cast %scan3A_191 : i32 to index
        %get3A_299 = arith.constant 0 : index
        %get3A_300 = tpu.vector_load %arg12[%get3A_298, %get3A_299] {strides = array<i32>} : memref<64x64xf32, #tpu.memory_space<vmem>>, vector<16xf32>,
        %mul3A_301 = arith.mulf %get3A_193, %get3A_300 : vector<16xf32>
        %get3A_302 = arith.index_cast %scan3A_191 : i32 to index
        %get3A_303 = arith.constant 16 : index
        %get3A_304 = tpu.vector_load %arg12[%get3A_302, %get3A_303] {strides = array<i32>} : memref<64x64xf32, #tpu.memory_space<vmem>>, vector<16xf32>,
        %mul3A_305 = arith.mulf %get3A_196, %get3A_304 : vector<16xf32>
        %add3A_306 = arith.addf %mul3A_301, %mul3A_305 : vector<16xf32>
        %get3A_307 = arith.index_cast %scan3A_191 : i32 to index
        %get3A_308 = arith.constant 32 : index
        %get3A_309 = tpu.vector_load %arg12[%get3A_307, %get3A_308] {strides = array<i32>} : memref<64x64xf32, #tpu.memory_space<vmem>>, vector<16xf32>,
        %mul3A_310 = arith.mulf %get3A_199, %get3A_309 : vector<16xf32>
        %add3A_311 = arith.addf %add3A_306, %mul3A_310 : vector<16xf32>
        %get3A_312 = arith.index_cast %scan3A_191 : i32 to index
        %get3A_313 = arith.constant 48 : index
        %get3A_314 = tpu.vector_load %arg12[%get3A_312, %get3A_313] {strides = array<i32>} : memref<64x64xf32, #tpu.memory_space<vmem>>, vector<16xf32>,
        %mul3A_315 = arith.mulf %get3A_202, %get3A_314 : vector<16xf32>
        %add3A_316 = arith.addf %add3A_311, %mul3A_315 : vector<16xf32>
        %swap3A_317 = arith.constant 4 : i32
        %swap3A_318 = arith.index_cast %scan3A_191 : i32 to index
        %swap3A_319 = arith.index_cast %swap3A_317 : i32 to index
        %swap3A_320 = arith.constant 0 : index
        %swap3A_321 = tpu.vector_load %arg19[%swap3A_318, %swap3A_319, %swap3A_320] {strides = array<i32>} : memref<64x16x16xf32, #tpu.memory_space<vmem>>, vector<16xf32>,
        tpu.vector_store %arg19[%swap3A_318, %swap3A_319, %swap3A_320], %add3A_316 {strides = array<i32>} : memref<64x16x16xf32, #tpu.memory_space<vmem>>, vector<16xf32>,
        %get3A_322 = arith.index_cast %scan3A_191 : i32 to index
        %get3A_323 = arith.constant 0 : index
        %get3A_324 = tpu.vector_load %arg13[%get3A_322, %get3A_323] {strides = array<i32>} : memref<64x64xf32, #tpu.memory_space<vmem>>, vector<16xf32>,
        %mul3A_325 = arith.mulf %get3A_193, %get3A_324 : vector<16xf32>
        %get3A_326 = arith.index_cast %scan3A_191 : i32 to index
        %get3A_327 = arith.constant 16 : index
        %get3A_328 = tpu.vector_load %arg13[%get3A_326, %get3A_327] {strides = array<i32>} : memref<64x64xf32, #tpu.memory_space<vmem>>, vector<16xf32>,
        %mul3A_329 = arith.mulf %get3A_196, %get3A_328 : vector<16xf32>
        %add3A_330 = arith.addf %mul3A_325, %mul3A_329 : vector<16xf32>
        %get3A_331 = arith.index_cast %scan3A_191 : i32 to index
        %get3A_332 = arith.constant 32 : index
        %get3A_333 = tpu.vector_load %arg13[%get3A_331, %get3A_332] {strides = array<i32>} : memref<64x64xf32, #tpu.memory_space<vmem>>, vector<16xf32>,
        %mul3A_334 = arith.mulf %get3A_199, %get3A_333 : vector<16xf32>
        %add3A_335 = arith.addf %add3A_330, %mul3A_334 : vector<16xf32>
        %get3A_336 = arith.index_cast %scan3A_191 : i32 to index
        %get3A_337 = arith.constant 48 : index
        %get3A_338 = tpu.vector_load %arg13[%get3A_336, %get3A_337] {strides = array<i32>} : memref<64x64xf32, #tpu.memory_space<vmem>>, vector<16xf32>,
        %mul3A_339 = arith.mulf %get3A_202, %get3A_338 : vector<16xf32>
        %add3A_340 = arith.addf %add3A_335, %mul3A_339 : vector<16xf32>
        %swap3A_341 = arith.constant 5 : i32
        %swap3A_342 = arith.index_cast %scan3A_191 : i32 to index
        %swap3A_343 = arith.index_cast %swap3A_341 : i32 to index
        %swap3A_344 = arith.constant 0 : index
        %swap3A_345 = tpu.vector_load %arg19[%swap3A_342, %swap3A_343, %swap3A_344] {strides = array<i32>} : memref<64x16x16xf32, #tpu.memory_space<vmem>>, vector<16xf32>,
        tpu.vector_store %arg19[%swap3A_342, %swap3A_343, %swap3A_344], %add3A_340 {strides = array<i32>} : memref<64x16x16xf32, #tpu.memory_space<vmem>>, vector<16xf32>,
        %get3A_346 = arith.index_cast %scan3A_191 : i32 to index
        %get3A_347 = arith.constant 0 : index
        %get3A_348 = tpu.vector_load %arg14[%get3A_346, %get3A_347] {strides = array<i32>} : memref<64x64xf32, #tpu.memory_space<vmem>>, vector<16xf32>,
        %mul3A_349 = arith.mulf %get3A_193, %get3A_348 : vector<16xf32>
        %get3A_350 = arith.index_cast %scan3A_191 : i32 to index
        %get3A_351 = arith.constant 16 : index
        %get3A_352 = tpu.vector_load %arg14[%get3A_350, %get3A_351] {strides = array<i32>} : memref<64x64xf32, #tpu.memory_space<vmem>>, vector<16xf32>,
        %mul3A_353 = arith.mulf %get3A_196, %get3A_352 : vector<16xf32>
        %add3A_354 = arith.addf %mul3A_349, %mul3A_353 : vector<16xf32>
        %get3A_355 = arith.index_cast %scan3A_191 : i32 to index
        %get3A_356 = arith.constant 32 : index
        %get3A_357 = tpu.vector_load %arg14[%get3A_355, %get3A_356] {strides = array<i32>} : memref<64x64xf32, #tpu.memory_space<vmem>>, vector<16xf32>,
        %mul3A_358 = arith.mulf %get3A_199, %get3A_357 : vector<16xf32>
        %add3A_359 = arith.addf %add3A_354, %mul3A_358 : vector<16xf32>
        %get3A_360 = arith.index_cast %scan3A_191 : i32 to index
        %get3A_361 = arith.constant 48 : index
        %get3A_362 = tpu.vector_load %arg14[%get3A_360, %get3A_361] {strides = array<i32>} : memref<64x64xf32, #tpu.memory_space<vmem>>, vector<16xf32>,
        %mul3A_363 = arith.mulf %get3A_202, %get3A_362 : vector<16xf32>
        %add3A_364 = arith.addf %add3A_359, %mul3A_363 : vector<16xf32>
        %swap3A_365 = arith.constant 6 : i32
        %swap3A_366 = arith.index_cast %scan3A_191 : i32 to index
        %swap3A_367 = arith.index_cast %swap3A_365 : i32 to index
        %swap3A_368 = arith.constant 0 : index
        %swap3A_369 = tpu.vector_load %arg19[%swap3A_366, %swap3A_367, %swap3A_368] {strides = array<i32>} : memref<64x16x16xf32, #tpu.memory_space<vmem>>, vector<16xf32>,
        tpu.vector_store %arg19[%swap3A_366, %swap3A_367, %swap3A_368], %add3A_364 {strides = array<i32>} : memref<64x16x16xf32, #tpu.memory_space<vmem>>, vector<16xf32>,
        %get3A_370 = arith.index_cast %scan3A_191 : i32 to index
        %get3A_371 = arith.constant 0 : index
        %get3A_372 = tpu.vector_load %arg15[%get3A_370, %get3A_371] {strides = array<i32>} : memref<64x64xf32, #tpu.memory_space<vmem>>, vector<16xf32>,
        %mul3A_373 = arith.mulf %get3A_193, %get3A_372 : vector<16xf32>
        %get3A_374 = arith.index_cast %scan3A_191 : i32 to index
        %get3A_375 = arith.constant 16 : index
        %get3A_376 = tpu.vector_load %arg15[%get3A_374, %get3A_375] {strides = array<i32>} : memref<64x64xf32, #tpu.memory_space<vmem>>, vector<16xf32>,
        %mul3A_377 = arith.mulf %get3A_196, %get3A_376 : vector<16xf32>
        %add3A_378 = arith.addf %mul3A_373, %mul3A_377 : vector<16xf32>
        %get3A_379 = arith.index_cast %scan3A_191 : i32 to index
        %get3A_380 = arith.constant 32 : index
        %get3A_381 = tpu.vector_load %arg15[%get3A_379, %get3A_380] {strides = array<i32>} : memref<64x64xf32, #tpu.memory_space<vmem>>, vector<16xf32>,
        %mul3A_382 = arith.mulf %get3A_199, %get3A_381 : vector<16xf32>
        %add3A_383 = arith.addf %add3A_378, %mul3A_382 : vector<16xf32>
        %get3A_384 = arith.index_cast %scan3A_191 : i32 to index
        %get3A_385 = arith.constant 48 : index
        %get3A_386 = tpu.vector_load %arg15[%get3A_384, %get3A_385] {strides = array<i32>} : memref<64x64xf32, #tpu.memory_space<vmem>>, vector<16xf32>,
        %mul3A_387 = arith.mulf %get3A_202, %get3A_386 : vector<16xf32>
        %add3A_388 = arith.addf %add3A_383, %mul3A_387 : vector<16xf32>
        %swap3A_389 = arith.constant 7 : i32
        %swap3A_390 = arith.index_cast %scan3A_191 : i32 to index
        %swap3A_391 = arith.index_cast %swap3A_389 : i32 to index
        %swap3A_392 = arith.constant 0 : index
        %swap3A_393 = tpu.vector_load %arg19[%swap3A_390, %swap3A_391, %swap3A_392] {strides = array<i32>} : memref<64x16x16xf32, #tpu.memory_space<vmem>>, vector<16xf32>,
        tpu.vector_store %arg19[%swap3A_390, %swap3A_391, %swap3A_392], %add3A_388 {strides = array<i32>} : memref<64x16x16xf32, #tpu.memory_space<vmem>>, vector<16xf32>,
        %get3A_394 = arith.index_cast %scan3A_191 : i32 to index
        %get3A_395 = arith.constant 0 : index
        %get3A_396 = tpu.vector_load %arg16[%get3A_394, %get3A_395] {strides = array<i32>} : memref<64x64xf32, #tpu.memory_space<vmem>>, vector<16xf32>,
        %mul3A_397 = arith.mulf %get3A_193, %get3A_396 : vector<16xf32>
        %get3A_398 = arith.index_cast %scan3A_191 : i32 to index
        %get3A_399 = arith.constant 16 : index
        %get3A_400 = tpu.vector_load %arg16[%get3A_398, %get3A_399] {strides = array<i32>} : memref<64x64xf32, #tpu.memory_space<vmem>>, vector<16xf32>,
        %mul3A_401 = arith.mulf %get3A_196, %get3A_400 : vector<16xf32>
        %add3A_402 = arith.addf %mul3A_397, %mul3A_401 : vector<16xf32>
        %get3A_403 = arith.index_cast %scan3A_191 : i32 to index
        %get3A_404 = arith.constant 32 : index
        %get3A_405 = tpu.vector_load %arg16[%get3A_403, %get3A_404] {strides = array<i32>} : memref<64x64xf32, #tpu.memory_space<vmem>>, vector<16xf32>,
        %mul3A_406 = arith.mulf %get3A_199, %get3A_405 : vector<16xf32>
        %add3A_407 = arith.addf %add3A_402, %mul3A_406 : vector<16xf32>
        %get3A_408 = arith.index_cast %scan3A_191 : i32 to index
        %get3A_409 = arith.constant 48 : index
        %get3A_410 = tpu.vector_load %arg16[%get3A_408, %get3A_409] {strides = array<i32>} : memref<64x64xf32, #tpu.memory_space<vmem>>, vector<16xf32>,
        %mul3A_411 = arith.mulf %get3A_202, %get3A_410 : vector<16xf32>
        %add3A_412 = arith.addf %add3A_407, %mul3A_411 : vector<16xf32>
        %swap3A_413 = arith.constant 8 : i32
        %swap3A_414 = arith.index_cast %scan3A_191 : i32 to index
        %swap3A_415 = arith.index_cast %swap3A_413 : i32 to index
        %swap3A_416 = arith.constant 0 : index
        %swap3A_417 = tpu.vector_load %arg19[%swap3A_414, %swap3A_415, %swap3A_416] {strides = array<i32>} : memref<64x16x16xf32, #tpu.memory_space<vmem>>, vector<16xf32>,
        tpu.vector_store %arg19[%swap3A_414, %swap3A_415, %swap3A_416], %add3A_412 {strides = array<i32>} : memref<64x16x16xf32, #tpu.memory_space<vmem>>, vector<16xf32>,
        %get3A_418 = arith.index_cast %scan3A_191 : i32 to index
        %get3A_419 = arith.constant 0 : index
        %get3A_420 = tpu.vector_load %arg17[%get3A_418, %get3A_419] {strides = array<i32>} : memref<64x64xf32, #tpu.memory_space<vmem>>, vector<16xf32>,
        %mul3A_421 = arith.mulf %get3A_193, %get3A_420 : vector<16xf32>
        %get3A_422 = arith.index_cast %scan3A_191 : i32 to index
        %get3A_423 = arith.constant 16 : index
        %get3A_424 = tpu.vector_load %arg17[%get3A_422, %get3A_423] {strides = array<i32>} : memref<64x64xf32, #tpu.memory_space<vmem>>, vector<16xf32>,
        %mul3A_425 = arith.mulf %get3A_196, %get3A_424 : vector<16xf32>
        %add3A_426 = arith.addf %mul3A_421, %mul3A_425 : vector<16xf32>
        %get3A_427 = arith.index_cast %scan3A_191 : i32 to index
        %get3A_428 = arith.constant 32 : index
        %get3A_429 = tpu.vector_load %arg17[%get3A_427, %get3A_428] {strides = array<i32>} : memref<64x64xf32, #tpu.memory_space<vmem>>, vector<16xf32>,
        %mul3A_430 = arith.mulf %get3A_199, %get3A_429 : vector<16xf32>
        %add3A_431 = arith.addf %add3A_426, %mul3A_430 : vector<16xf32>
        %get3A_432 = arith.index_cast %scan3A_191 : i32 to index
        %get3A_433 = arith.constant 48 : index
        %get3A_434 = tpu.vector_load %arg17[%get3A_432, %get3A_433] {strides = array<i32>} : memref<64x64xf32, #tpu.memory_space<vmem>>, vector<16xf32>,
        %mul3A_435 = arith.mulf %get3A_202, %get3A_434 : vector<16xf32>
        %add3A_436 = arith.addf %add3A_431, %mul3A_435 : vector<16xf32>
        %swap3A_437 = arith.constant 9 : i32
        %swap3A_438 = arith.index_cast %scan3A_191 : i32 to index
        %swap3A_439 = arith.index_cast %swap3A_437 : i32 to index
        %swap3A_440 = arith.constant 0 : index
        %swap3A_441 = tpu.vector_load %arg19[%swap3A_438, %swap3A_439, %swap3A_440] {strides = array<i32>} : memref<64x16x16xf32, #tpu.memory_space<vmem>>, vector<16xf32>,
        tpu.vector_store %arg19[%swap3A_438, %swap3A_439, %swap3A_440], %add3A_436 {strides = array<i32>} : memref<64x16x16xf32, #tpu.memory_space<vmem>>, vector<16xf32>,
        %get3A_442 = arith.index_cast %scan3A_191 : i32 to index
        %get3A_443 = arith.constant 0 : index
        %get3A_444 = tpu.vector_load %arg18[%get3A_442, %get3A_443] {strides = array<i32>} : memref<64x64xf32, #tpu.memory_space<vmem>>, vector<16xf32>,
        %mul3A_445 = arith.mulf %get3A_193, %get3A_444 : vector<16xf32>
        %get3A_446 = arith.index_cast %scan3A_191 : i32 to index
        %get3A_447 = arith.constant 16 : index
        %get3A_448 = tpu.vector_load %arg18[%get3A_446, %get3A_447] {strides = array<i32>} : memref<64x64xf32, #tpu.memory_space<vmem>>, vector<16xf32>,
        %mul3A_449 = arith.mulf %get3A_196, %get3A_448 : vector<16xf32>
        %add3A_450 = arith.addf %mul3A_445, %mul3A_449 : vector<16xf32>
        %get3A_451 = arith.index_cast %scan3A_191 : i32 to index
        %get3A_452 = arith.constant 32 : index
        %get3A_453 = tpu.vector_load %arg18[%get3A_451, %get3A_452] {strides = array<i32>} : memref<64x64xf32, #tpu.memory_space<vmem>>, vector<16xf32>,
        %mul3A_454 = arith.mulf %get3A_199, %get3A_453 : vector<16xf32>
        %add3A_455 = arith.addf %add3A_450, %mul3A_454 : vector<16xf32>
        %get3A_456 = arith.index_cast %scan3A_191 : i32 to index
        %get3A_457 = arith.constant 48 : index
        %get3A_458 = tpu.vector_load %arg18[%get3A_456, %get3A_457] {strides = array<i32>} : memref<64x64xf32, #tpu.memory_space<vmem>>, vector<16xf32>,
        %mul3A_459 = arith.mulf %get3A_202, %get3A_458 : vector<16xf32>
        %add3A_460 = arith.addf %add3A_455, %mul3A_459 : vector<16xf32>
        %swap3A_461 = arith.constant 10 : i32
        %swap3A_462 = arith.index_cast %scan3A_191 : i32 to index
        %swap3A_463 = arith.index_cast %swap3A_461 : i32 to index
        %swap3A_464 = arith.constant 0 : index
        %swap3A_465 = tpu.vector_load %arg19[%swap3A_462, %swap3A_463, %swap3A_464] {strides = array<i32>} : memref<64x16x16xf32, #tpu.memory_space<vmem>>, vector<16xf32>,
        tpu.vector_store %arg19[%swap3A_462, %swap3A_463, %swap3A_464], %add3A_460 {strides = array<i32>} : memref<64x16x16xf32, #tpu.memory_space<vmem>>, vector<16xf32>,
      }
      %scan3A_190 = arith.constant 64 : i32
      "tpu.region"() ({
        %run_scoped3A = tpu.sem_alloc : memref<!tpu.dma_semaphore, #tpu.memory_space<semaphore_mem>>
        %dma_start3A_191 = arith.constant 0 : i32
        %dma_start3A_192 = arith.constant 0 : i32
        %dma_start3A_193 = tpu.memref_slice %arg5[%add3A_18, %dma_start3A_191, %dma_start3A_192] : memref<16384x16x16xf32, #tpu.memory_space<hbm>> -> memref<64x16x16xf32, #tpu.memory_space<hbm>>
        %dma_start3A_194 = arith.constant 0 : i32
        %dma_start3A_195 = arith.constant 0 : i32
        %dma_start3A_196 = tpu.memref_slice %arg5[%add3A_18, %dma_start3A_194, %dma_start3A_195] : memref<16384x16x16xf32, #tpu.memory_space<hbm>> -> memref<64x16x16xf32, #tpu.memory_space<hbm>>
        tpu.enqueue_dma source(%arg19 : memref<64x16x16xf32, #tpu.memory_space<vmem>>) target(%dma_start3A_196 : memref<64x16x16xf32, #tpu.memory_space<hbm>>) target_semaphore(%run_scoped3A : memref<!tpu.dma_semaphore, #tpu.memory_space<semaphore_mem>>)
        %dma_wait3A_197 = arith.constant 0 : i32
        %dma_wait3A_198 = arith.constant 0 : i32
        %dma_wait3A_199 = tpu.memref_slice %arg5[%add3A_18, %dma_wait3A_197, %dma_wait3A_198] : memref<16384x16x16xf32, #tpu.memory_space<hbm>> -> memref<64x16x16xf32, #tpu.memory_space<hbm>>
        %dma_wait3A_200 = arith.constant 0 : i32
        %dma_wait3A_201 = arith.constant 0 : i32
        %dma_wait3A_202 = tpu.memref_slice %arg5[%add3A_18, %dma_wait3A_200, %dma_wait3A_201] : memref<16384x16x16xf32, #tpu.memory_space<hbm>> -> memref<64x16x16xf32, #tpu.memory_space<hbm>>
        tpu.wait_dma2 semaphore(%run_scoped3A : memref<!tpu.dma_semaphore, #tpu.memory_space<semaphore_mem>>) src(%arg19 : memref<64x16x16xf32, #tpu.memory_space<vmem>>) dst(%dma_wait3A_202 : memref<64x16x16xf32, #tpu.memory_space<hbm>>)
        tpu.yield
      }) : () -> ()
    }
    %scan3A_14 = arith.constant 8 : i32
    return
  }
}

module attributes {stable_mosaic.version = 14 : i64} {
  func.func @body(%arg0: i32, %arg1: memref<2048x256xf32, #tpu.memory_space<vmem>>, %arg2: memref<1x1xf32, #tpu.memory_space<vmem>>) attributes {dimension_semantics = [#tpu.dimension_semantics<arbitrary>], iteration_bounds = array<i64: 8>, scalar_prefetch = 0 : i64, scratch_operands = 0 : i64, tpu.core_type = #tpu.core_type<tc>, window_params = [{transform_indices = @transform_0, window_bounds = array<i64: 2048, 256>}, {pipeline_mode = #tpu.pipeline_mode<synchronous>, transform_indices = @transform_1, window_bounds = array<i64: 1, 1>}]} {
    %eq3A = arith.constant 0 : i32
    %eq3A_0 = arith.cmpi eq, %arg0, %eq3A : i32
    %convert_element_type3A = arith.extui %eq3A_0 : i1 to i32
    %cond3A = arith.constant 0 : i32
    %cond3A_1 = arith.cmpi ne, %convert_element_type3A, %cond3A : i32
    scf.if %cond3A_1 {
      %broadcast_in_dim3A_62 = arith.constant 0.000000e+00 : f32
      %broadcast_in_dim3A_63 = vector.broadcast %broadcast_in_dim3A_62 : f32 to vector<1x1xf32>
      %swap3A_64 = arith.constant 0 : index
      %swap3A_65 = arith.constant 0 : index
      %swap3A_66 = vector.load %arg2[%swap3A_64, %swap3A_65] : memref<1x1xf32, #tpu.memory_space<vmem>>, vector<1x1xf32>
      tpu.vector_store %arg2[%swap3A_64, %swap3A_65], %broadcast_in_dim3A_63 {strides = array<i32>} : memref<1x1xf32, #tpu.memory_space<vmem>>, vector<1x1xf32>,
    } else {
    }
    %get3A = arith.constant 0 : index
    %get3A_2 = arith.constant 0 : index
    %get3A_3 = vector.load %arg1[%get3A, %get3A_2] : memref<2048x256xf32, #tpu.memory_space<vmem>>, vector<2048x256xf32>
    %iota3A = tpu.iota {dimensions = array<i32: 0>} : vector<256x16xi32>
    %iota3A_4 = tpu.iota {dimensions = array<i32: 1>} : vector<256x16xi32>
    %jit3A = arith.constant 16 : i32
    %div3A = vector.broadcast %jit3A : i32 to vector<256x16xi32>
    %div3A_5 = arith.divsi %iota3A, %div3A : vector<256x16xi32>
    %sign3A = arith.constant 0 : i32
    %sign3A_6 = vector.broadcast %sign3A : i32 to vector<256x16xi32>
    %sign3A_7 = arith.cmpi sgt, %iota3A, %sign3A_6 : vector<256x16xi32>
    %sign3A_8 = arith.extui %sign3A_7 : vector<256x16xi1> to vector<256x16xi32>
    %sign3A_9 = arith.constant 0 : i32
    %sign3A_10 = vector.broadcast %sign3A_9 : i32 to vector<256x16xi32>
    %sign3A_11 = arith.cmpi slt, %iota3A, %sign3A_10 : vector<256x16xi32>
    %sign3A_12 = arith.extui %sign3A_11 : vector<256x16xi1> to vector<256x16xi32>
    %sign3A_13 = arith.subi %sign3A_8, %sign3A_12 : vector<256x16xi32>
    %sign3A_14 = arith.constant 0 : i32
    %sign3A_15 = arith.cmpi sgt, %jit3A, %sign3A_14 : i32
    %sign3A_16 = arith.extui %sign3A_15 : i1 to i32
    %sign3A_17 = arith.constant 0 : i32
    %sign3A_18 = arith.cmpi slt, %jit3A, %sign3A_17 : i32
    %sign3A_19 = arith.extui %sign3A_18 : i1 to i32
    %sign3A_20 = arith.subi %sign3A_16, %sign3A_19 : i32
    %ne3A = vector.broadcast %sign3A_20 : i32 to vector<256x16xi32>
    %ne3A_21 = arith.cmpi ne, %sign3A_13, %ne3A : vector<256x16xi32>
    %rem3A = vector.broadcast %jit3A : i32 to vector<256x16xi32>
    %rem3A_22 = arith.remsi %iota3A, %rem3A : vector<256x16xi32>
    %ne3A_23 = arith.constant 0 : i32
    %ne3A_24 = vector.broadcast %ne3A_23 : i32 to vector<256x16xi32>
    %ne3A_25 = arith.cmpi ne, %rem3A_22, %ne3A_24 : vector<256x16xi32>
    %and3A = arith.andi %ne3A_21, %ne3A_25 : vector<256x16xi1>
    %sub3A = arith.constant 1 : i32
    %sub3A_26 = vector.broadcast %sub3A : i32 to vector<256x16xi32>
    %sub3A_27 = arith.subi %div3A_5, %sub3A_26 : vector<256x16xi32>
    %select_n3A = arith.select %and3A, %sub3A_27, %div3A_5 : vector<256x16xi1>, vector<256x16xi32>
    %eq3A_28 = arith.cmpi eq, %select_n3A, %iota3A_4 : vector<256x16xi32>
    %convert_element_type3A_29 = arith.extui %eq3A_28 : vector<256x16xi1> to vector<256x16xi32>
    %convert_element_type3A_30 = arith.sitofp %convert_element_type3A_29 : vector<256x16xi32> to vector<256x16xf32>
    %dot_general3A = arith.constant dense<0.000000e+00> : vector<2048x16xf32>
    %dot_general3A_31 = tpu.matmul %get3A_3, %convert_element_type3A_30, %dot_general3A {dimension_numbers = #tpu.dot_dimension_numbers<[1], [0], [0], [1], [0, 0, 1, 1], [], []>, transpose_lhs_hint = false} : vector<2048x256xf32>, vector<256x16xf32>, vector<2048x16xf32> -> vector<2048x16xf32>
    %iota3A_32 = tpu.iota {dimensions = array<i32: 1>} : vector<2048x16xi32>
    %eq3A_33 = arith.constant 0 : i32
    %eq3A_34 = vector.broadcast %eq3A_33 : i32 to vector<2048x16xi32>
    %eq3A_35 = arith.cmpi eq, %iota3A_32, %eq3A_34 : vector<2048x16xi32>
    %neg3A = arith.constant 0.000000e+00 : f32
    %neg3A_36 = vector.broadcast %neg3A : f32 to vector<2048x16xf32>
    %neg3A_37 = arith.subf %neg3A_36, %dot_general3A_31 : vector<2048x16xf32>
    %select_n3A_38 = arith.select %eq3A_35, %dot_general3A_31, %neg3A_37 : vector<2048x16xi1>, vector<2048x16xf32>
    %logistic3A = arith.negf %select_n3A_38 : vector<2048x16xf32>
    %logistic3A_39 = math.exp %logistic3A : vector<2048x16xf32>
    %logistic3A_40 = arith.constant 1.000000e+00 : f32
    %logistic3A_41 = vector.broadcast %logistic3A_40 : f32 to vector<2048x16xf32>
    %logistic3A_42 = arith.addf %logistic3A_41, %logistic3A_39 : vector<2048x16xf32>
    %logistic3A_43 = arith.divf %logistic3A_41, %logistic3A_42 : vector<2048x16xf32>
    %log3A = math.log %logistic3A_43 : vector<2048x16xf32>
    %le3A = arith.constant 10 : i32
    %le3A_44 = vector.broadcast %le3A : i32 to vector<2048x16xi32>
    %le3A_45 = arith.cmpi sle, %iota3A_32, %le3A_44 : vector<2048x16xi32>
    %jit3A_46 = arith.constant 0.000000e+00 : f32
    %broadcast_in_dim3A = vector.broadcast %jit3A_46 : f32 to vector<2048x16xf32>
    %select_n3A_47 = arith.select %le3A_45, %log3A, %broadcast_in_dim3A : vector<2048x16xi1>, vector<2048x16xf32>
    %get3A_48 = arith.constant 0 : index
    %get3A_49 = arith.constant 0 : index
    %get3A_50 = vector.load %arg2[%get3A_48, %get3A_49] : memref<1x1xf32, #tpu.memory_space<vmem>>, vector<1x1xf32>
    %reduce_sum3A = vector.shape_cast %select_n3A_47 : vector<2048x16xf32> to vector<1x2048x16xf32>
    %reduce_sum3A_51 = arith.constant dense<0.000000e+00> : vector<1xf32>
    %reduce_sum3A_52 = vector.multi_reduction <add>, %reduce_sum3A, %reduce_sum3A_51 [1, 2] : vector<1x2048x16xf32> to vector<1xf32>
    %reduce_sum3A_53 = vector.shape_cast %reduce_sum3A_52 : vector<1xf32> to vector<1x1x1xf32>
    %reduce_sum3A_54 = vector.extract %reduce_sum3A_53[0, 0, 0] : f32 from vector<1x1x1xf32>
    %neg3A_55 = arith.constant 0.000000e+00 : f32
    %neg3A_56 = arith.subf %neg3A_55, %reduce_sum3A_54 : f32
    %div3A_57 = arith.constant 1.638400e+04 : f32
    %div3A_58 = arith.divf %neg3A_56, %div3A_57 : f32
    %add3A = vector.broadcast %div3A_58 : f32 to vector<1x1xf32>
    %add3A_59 = arith.addf %get3A_50, %add3A : vector<1x1xf32>
    %swap3A = arith.constant 0 : index
    %swap3A_60 = arith.constant 0 : index
    %swap3A_61 = vector.load %arg2[%swap3A, %swap3A_60] : memref<1x1xf32, #tpu.memory_space<vmem>>, vector<1x1xf32>
    tpu.vector_store %arg2[%swap3A, %swap3A_60], %add3A_59 {strides = array<i32>} : memref<1x1xf32, #tpu.memory_space<vmem>>, vector<1x1xf32>,
    return
  }
  func.func @transform_0(%arg0: i32) -> (i32, i32) {
    %c0_i32 = arith.constant 0 : i32
    %c0_i32_0 = arith.constant 0 : i32
    return %arg0, %c0_i32 : i32, i32
  }
  func.func @transform_1(%arg0: i32) -> (i32, i32) {
    %c0_i32 = arith.constant 0 : i32
    %c0_i32_0 = arith.constant 0 : i32
    %c0_i32_1 = arith.constant 0 : i32
    return %c0_i32, %c0_i32_0 : i32, i32
  }
}

</mosaic_0001>

<sc_bundles>
// kernel: kernel.4.cloned.1.call-start
scs
__scs_entry_jumppad:
0x0: {  	(pc) =	sbr.rel $0x88, $3  }
0x1: {  	(tag) =	ssettag $0x0;
	lr =	simm.s32 $0x1  }
0x2: {  	[smem:$0x3F9C] =	sst lr;
	_ =	strace $0xD0000000  }
0x3: {  	_ = 	snop  }
0x4: {  	_ = 	snop  }
0x5: {  	_ = 	snop  }
0x6: {  	_ = 	snop  }
0x7: {  	_ = 	snop  }
__scs_overlays_trampoline_lowered:
0x8: {  	[smem:$0x3FAB] =	sst s0  }
0x9: {  	[smem:$0x3FAC] =	sst s1  }
0xa: {  	[smem:$0x3FAD] =	sst s2  }
0xb: {  	[smem:$0x3FAE] =	sst s3  }
0xc: {  	[smem:$0x3FAF] =	sst s4  }
0xd: {  	[smem:$0x3FB0] =	sst s5  }
0xe: {  	[smem:$0x3FB1] =	sst s6  }
0xf: {  	[smem:$0x3FB2] =	sst s7  }
0x10: {  	[smem:$0x3FB3] =	sst s8  }
0x11: {  	[smem:$0x3FB4] =	sst s9;
	s0 =	simm.s32 @!p0 $0x0  }
0x12: {  	s1 =	sld [smem:$0x3F9A];
	s0 =	simm.s32 @p0 $0x1  }
0x13: {  	[smem:$0x3FB5] =	sst s0;
	s0 =	simm.s32 @!p1 $0x0  }
0x14: {  	s2 =	sld [smem:$0x3F99];
	s0 =	simm.s32 @p1 $0x1  }
0x15: {  	[smem:$0x3FB6] =	sst s0;
	s0 =	simm.s32 @!p2 $0x0  }
0x16: {  	s3 =	sld [smem:$0x3FDB];
	s0 =	simm.s32 @p2 $0x1  }
0x17: {  	s4 =	simm.s32 $0x1BF5;
	[smem:$0x3FB8] =	sst s0  }
0x18: {  	s0 =	sld [smem:$0x3F9B];
	_ =	swait.ge [sflag:s4], $0x0  }
0x19: {  	s7 =	sld [smem:$0x3F9C]  }
0x1a: {  	s8 =	sadd.s32 $0xFFFFE003, lr  }
0x1b: {  	s9 =	sadd.s32 $0xFFFFFEF7, lr;
	s5 =	simm.s32 $0xFFFFFFFF;
	p2 =	slt.u32 s8, $0xFFFFF086  }
0x1c: {  	p1 =	slt.u32 s9, $0xF7A;
	s5 =	simm.s32 @!p2 $0x0  }
0x1d: {  	s5 =	simm.s32 @p1 $0x1;
	p0 =	seq.s32 s7, s2  }
0x1e: {  	s7 =	smul.u32 @!p0 $0xF7A, s2;
	p2 =	seq.s32 @!p0 s5, $0x0  }
0x1f: {  	s9 =	smul.u32 $0xF7A, s1;
	s8 =	simm.s32 @!p0 $0x1BF5;
	p2 =	por !p2, p0  }
0x20: {  	[sflag:s8] =	ssyncset.s32 @!p0 $0xFFFFF086;
	s6 =	sadd.s32 @!p0 s3, s7;
	s7 =	simm.s32 @!p0 $0x108  }
0x21: {  	s3 =	sadd.s32 s3, s9;
	s6 =	sadd.s32 @!p0 $0x88, s6;
	s7 =	simm.s32 @p2 $0x1082  }
0x22: {  	[simem:s7], [sflag:s8] =	dma.local @!p0 [hbm:s6], $0xF7A  }
0x23: {  	s9 =	sor.u32 $0xD0000000, s2;
	s6 =	simm.s32 $0x108;
	_ =	swait.ge @!p0 [sflag:s8], $0x0  }
0x24: {  	s3 =	sadd.s32 $0x88, s3;
	s6 =	simm.s32 @!p1 $0x1082;
	[sflag:s4] =	ssyncset.s32 $0xFFFFF086  }
0x25: {  	[simem:s6], [sflag:s4] =	dma.local [hbm:s3], $0xF7A  }
0x26: {  	[smem:$0x3F9C] =	sst s1;
	(tag) =	ssettag s2;
	_ =	strace s9  }
0x27: {  	s1 =	sld [smem:$0x3FAC]  }
0x28: {  	s2 =	sld [smem:$0x3FAD]  }
0x29: {  	s4 =	sld [smem:$0x3FAF]  }
0x2a: {  	p0 =	seq.s32 s5, $0x0;
	s5 =	sld [smem:$0x3FB0]  }
0x2b: {  	s6 =	sld [smem:$0x3FB1]  }
0x2c: {  	s7 =	sld [smem:$0x3FB2]  }
0x2d: {  	s3 =	simm.s32 $0x108;
	s8 =	sld [smem:$0x3FB3]  }
0x2e: {  	s3 =	simm.s32 @!p0 $0x1082;
	s9 =	sld [smem:$0x3FB4]  }
0x2f: {  	lr =	sadd.s32 s0, s3;
	s0 =	sld [smem:$0x3FAB]  }
0x30: {  	s3 =	sld [smem:$0x3FAE]  }
0x31: {  	[smem:$0x3FB7] =	sst s10  }
0x32: {  	s10 =	sld [smem:$0x3FB5];
	_ =	sdelay $0x3  }
0x33: {  	p0 =	seq.s32 s10, $0x1;
	s10 =	sld [smem:$0x3FB7];
	_ =	sdelay $0x3  }
0x34: {  	[smem:$0x3FB7] =	sst s10  }
0x35: {  	s10 =	sld [smem:$0x3FB6];
	_ =	sdelay $0x3  }
0x36: {  	p1 =	seq.s32 s10, $0x1;
	s10 =	sld [smem:$0x3FB7];
	_ =	sdelay $0x3  }
0x37: {  	[smem:$0x3FB7] =	sst s10  }
0x38: {  	s10 =	sld [smem:$0x3FB8]  }
0x39: {  	_ = 	snop;
	(pc) =	sbr.ind lr, $3  }
0x3a: {  	_ = 	snop  }
0x3b: {  	_ = 	snop  }
0x3c: {  	p2 =	seq.s32 s10, $0x1;
	s10 =	sld [smem:$0x3FB7]  }
0x3d: {  	_ =	shalt  }
0x3e: {  	_ =	shalt  }
0x3f: {  	_ =	shalt  }
0x40: {  	_ =	shalt  }
0x41: {  	_ =	shalt  }
0x42: {  	_ =	shalt  }
0x43: {  	_ =	shalt  }
0x44: {  	_ =	shalt  }
0x45: {  	_ =	shalt  }
0x46: {  	_ =	shalt  }
0x47: {  	_ =	shalt  }
0x48: {  	_ =	shalt  }
0x49: {  	_ =	shalt  }
0x4a: {  	_ =	shalt  }
0x4b: {  	_ =	shalt  }
0x4c: {  	_ =	shalt  }
0x4d: {  	_ =	shalt  }
0x4e: {  	_ =	shalt  }
0x4f: {  	_ =	shalt  }
0x50: {  	_ =	shalt  }
0x51: {  	_ =	shalt  }
0x52: {  	_ =	shalt  }
0x53: {  	_ =	shalt  }
0x54: {  	_ =	shalt  }
0x55: {  	_ =	shalt  }
0x56: {  	_ =	shalt  }
0x57: {  	_ =	shalt  }
0x58: {  	_ =	shalt  }
0x59: {  	_ =	shalt  }
0x5a: {  	_ =	shalt  }
0x5b: {  	_ =	shalt  }
0x5c: {  	_ =	shalt  }
0x5d: {  	_ =	shalt  }
0x5e: {  	_ =	shalt  }
0x5f: {  	_ =	shalt  }
0x60: {  	_ =	shalt  }
0x61: {  	_ =	shalt  }
0x62: {  	_ =	shalt  }
0x63: {  	_ =	shalt  }
0x64: {  	_ =	shalt  }
0x65: {  	_ =	shalt  }
0x66: {  	_ =	shalt  }
0x67: {  	_ =	shalt  }
0x68: {  	_ =	shalt  }
0x69: {  	_ =	shalt  }
0x6a: {  	_ =	shalt  }
0x6b: {  	_ =	shalt  }
0x6c: {  	_ =	shalt  }
0x6d: {  	_ =	shalt  }
0x6e: {  	_ =	shalt  }
0x6f: {  	_ =	shalt  }
0x70: {  	_ =	shalt  }
0x71: {  	_ =	shalt  }
0x72: {  	_ =	shalt  }
0x73: {  	_ =	shalt  }
0x74: {  	_ =	shalt  }
0x75: {  	_ =	shalt  }
0x76: {  	_ =	shalt  }
0x77: {  	_ =	shalt  }
0x78: {  	_ =	shalt  }
0x79: {  	_ =	shalt  }
0x7a: {  	_ =	shalt  }
0x7b: {  	_ =	shalt  }
0x7c: {  	_ =	shalt  }
0x7d: {  	_ =	shalt  }
0x7e: {  	_ =	shalt  }
0x7f: {  	_ =	shalt  }
0x80: {  	_ =	shalt  }
0x81: {  	_ =	shalt  }
0x82: {  	_ =	shalt  }
0x83: {  	_ =	shalt  }
0x84: {  	_ =	shalt  }
0x85: {  	_ =	shalt  }
0x86: {  	_ =	shalt  }
0x87: {  	_ =	shalt  }
.Lfunc_end0:
.L_simem_size_0:
called_computation_lowered:
.L_overlay_start_0:
0x88: {  	s2 =	sld [smem:$0x3FD9]  }
0x89: {  	s3 =	sld [smem:$0x3FFE];
	_ =	sdelay $0x1  }
0x8a: {  	s1 =	srdreg.scid  }
0x8b: {  	s0 =	sand.u32 $0x1, s1  }
0x8c: {  	s16 =	sshll.u32 s0, $0xA;
	s2 =	sadd.s32 s3, s2  }
0x8d: {  	s2 =	sadd.s32 s2, s16  }
0x8e: {  	[smem:$0x3FC3] =	sst s2  }
0x8f: {  	_ = 	snop  }
0x90: {  	(tm) =	ssettm $0x1  }
0x91: {  	s17 =	sld [smem:$0x3FFB];
	_ =	sdelay $0x3  }
0x92: {  	_ =	strace s17  }
0x93: {  	s2 =	sld [smem:$0x3FFC];
	_ =	sdelay $0x3  }
0x94: {  	_ =	strace s2  }
0x95: {  	s2 =	sld [smem:$0x3FFD];
	_ =	sdelay $0x3  }
0x96: {  	_ =	strace s2  }
0x97: {  	_ =	strace $0x8FFFFFFF  }
0x98: {  	s18 =	sld [smem:$0x3FDB];
	_ =	sdelay $0x1  }
0x99: {  	s19 =	simm.s32 $_scs_section_size  }
0x9a: {  	s4 =	simm.s32 $_size__tile_overlayer_lowered;
	s5 =	simm.s32 $_tile_overlayer_lowered  }
0x9b: {  	s22 =	simm.s32 $0x1BFF;
	s21 =	sshll.u32 s5, $0x1;
	s2 =	sadd.s32 s19, s18  }
0x9c: {  	s6 =	simm.s32 $0x0;
	s20 =	sshll.u32 s4, $0x1;
	s4 =	sadd.s32 s21, s2  }
0x9d: {  	[timem:s6], [sflag:s22] =	dma.local [hbm:s4], s20  }
0x9e: {  	_ =	swait.ge [sflag:s22], s20  }
0x9f: {  	s3 =	ssub.s32 $0x0, s20;
	[sflag:s22] =	ssyncset.done $0x0  }
0xa0: {  	[sflag:s22] =	ssyncadd.s32 s3;
	_ =	sdelay $0x1  }
0xa1: {  	s23 =	simm.s32 $0x1B8B  }
0xa2: {  	_ =	swait.ge [sflag:s23], $0x1  }
0xa3: {  	[sflag:s23] =	ssyncset.done $0x0  }
0xa4: {  	s25 =	simm.s32 $0x1B8E;
	s24 =	sld [smem:$0x3FFE];
	[sflag:s23] =	ssyncadd.s32 $0xFFFFFFFF  }
0xa5: {  	s26 =	simm.s32 $execute0_lowered;
	[smem:$0x3FD2] =	sst s25  }
0xa6: {  	s4 =	sshll.u32 s26, $0x1;
	_ =	strace $0x80000046;
	[dreg:$0x1] =	wrdreg $0xFFFFFFFF  }
0xa7: {  	s28 =	simm.s32 $_size_execute0_lowered;
	s2 =	sadd.s32 s2, s4;
	[dreg:$0x0] =	wrdreg $0x0  }
0xa8: {  	s4 =	sshll.u32 s28, $0x1;
	[dreg:$0x2] =	wrdreg s2  }
0xa9: {  	[dreg:$0x3] =	wrdreg s4  }
0xaa: {  	[dreg:$0x4] =	wrdreg $0xC0  }
0xab: {  	_ =	task [dreg:s6], $0x5FFFF  }
0xac: {  	[dreg:$0x1] =	wrdreg $0xFFFFFFFF  }
0xad: {  	[dreg:$0x0] =	wrdreg $0x60  }
0xae: {  	[dreg:$0x2] =	wrdreg s24  }
0xaf: {  	[dreg:$0x3] =	wrdreg $0x9  }
0xb0: {  	_ =	task.clear_ibuf [dreg:s6], $0x4FFFF;
	_ =	strace $0x90000046  }
0xb1: {  	s29 =	simm.s32 $0x9;
	_ =	strace $0x80000048  }
0xb2: {  	_ =	swait.ge [sflag:s29], $0x1  }
0xb3: {  	[sflag:s29] =	ssyncadd.s32 $0xFFFFFFFF  }
0xb4: {  	_ =	strace $0x90000048  }
0xb5: {  	_ =	sfence  }
0xb6: {  	s30 =	sld [smem:$0x0];
	_ =	sdelay $0x2  }
0xb7: {  	s31 =	sshll.u32 s1, $0xD;
	s1 =	sshrl.u32 s1, $0x2  }
0xb8: {  	s3 =	sand.u32 $0x4000, s31;
	s1 =	sadd.s32 s1, s30  }
0xb9: {  	s0 =	sor.u32 s3, s0;
	s1 =	sshll.u32 s1, $0x11  }
0xba: {  	s0 =	sor.u32 s1, s0  }
0xbb: {  	s0 =	sadd.s32 $0x8F2B, s0  }
0xbc: {  	[sflag:s0] =	ssyncadd.remote.s32 $0x1  }
0xbd: {  	_ =	sfence.sel $0xFFFF  }
0xbe: {  	[dreg:$0x0] =	wrdreg $0xFFFFFFFF;
	(pc) =	sbr.abs _section_cstart, $3  }
0xbf: {  	[dreg:$0x1] =	wrdreg $0xFFFFFFFF  }
0xc0: {  	_ =	task.clear_ibuf [dreg:s6], $0x2FFFF;
	_ =	strace $0x9FFFFFFF  }
0xc1: {  	(tm) =	ssettm $0x7FFFFFFF  }
tec
execute0_lowered:
.L_overlay_start_1:
0x0: {  	(tag) =	ssettag $0x1  }
0x1: {  	s0 =	rddreg [dreg:$0x0];
	s1 =	simm.s32 $0x0  }
0x2: {  	s24 =	srdreg.scid;
	s7 =	stileid.u32;
	s9 =	simm.s32 $0x40  }
0x3: {  	s11 =	simm.s32 $0x2;
	s20 =	simm.s32 $0x140;
	s21 =	simm.s32 $0x5300  }
0x4: {  	s22 =	simm.s32 $0x180;
	s23 =	simm.s32 $0x6300;
	s28 =	simm.s32 $0x8300  }
0x5: {  	s29 =	simm.s32 $0x240;
	s30 =	simm.s32 $0x9300;
	s31 =	simm.s32 $0x280  }
0x6: {  	s8 =	simm.s32 $0xB300;
	s10 =	simm.s32 $0xC300;
	s13 =	simm.s32 $0x0  }
0x7: {  	[smem:$0x7FF] =	sst s1;
	s2 =	sadd.s32 $0xA00, s0;
	s1 =	sand.u32 $0x1, s24  }
0x8: {  	s4 =	sadd.s32 $0x16E4000, s0;
	s5 =	sadd.s32 $0xF42E00, s0;
	s6 =	sadd.s32 $0x6A00, s0  }
0x9: {  	s26 =	sshll.u32 s7, $0xA;
	s24 =	simm.s32 $0x1C0;
	s3 =	ssub.s32 $0x2, s1  }
0xa: {  	_ =	strace $0x80000047;
	s1 =	sshll.u32 s1, $0x9;
	s25 =	sshrl.u32 s3, $0x1  }
0xb: {  	s7 =	sor.u32 s1, s26;
	s26 =	simm.s32 $0x200;
	s0 =	ssub.s32 s3, s25  }
0xc: {  	s1 =	simm.s32 $0x1;
	s25 =	simm.s32 $0x7300;
	s0 =	smax.u32 s0, $0x1  }
0xd: {  	v0 =	vimm.f32 $0.0e+00;
	s3 =	simm.s32 $0x2C0;
	[dreg:$0x2] =	wrdreg s0;
	s0 =	simm.s32 $0xA300  }
.LBB2_1:
0xe: {  	[dreg:$0x3] =	wrdreg s13;
	s12 =	simm.s32 $0x400;
	s13 =	simm.s32 $0x0  }
.LBB2_2:
0xf: {  	p0 =	sne.s32 s12, $0xFC00;
	[tilespmem:s13+$0xC3F0] =	vst v0;
	s14 =	smov.u32 s12;
	s12 =	sadd.s32 $0x400, s12  }
.Ltmp0:
0x10: {  	[tilespmem:s13+$0xC3E0] =	vst v0;
	(pc) =	sbr.rel @p0 .LBB2_2-.Ltmp0, $4  }
0x11: {  	[tilespmem:s13+$0xC3D0] =	vst v0  }
0x12: {  	[tilespmem:s13+$0xC3B0] =	vst v0  }
0x13: {  	[tilespmem:s13+$0xC3C0] =	vst v0  }
0x14: {  	s13 =	sshra.s32 s14, $0x2  }
0x15: {  	[tilespmem:s13+$0xC3F0] =	vst v0  }
0x16: {  	[tilespmem:s13+$0xC3E0] =	vst v0  }
0x17: {  	[tilespmem:s13+$0xC3D0] =	vst v0  }
0x18: {  	[tilespmem:s13+$0xC3B0] =	vst v0  }
0x19: {  	s12 =	simm.s32 $0x0;
	[tilespmem:s13+$0xC3C0] =	vst v0;
	s13 =	simm.s32 $0x0  }
.LBB2_4:
0x1a: {  	s14 =	sshll.u32 s13, $0x6  }
0x1b: {  	s14 =	sadd.s32 s7, s14  }
0x1c: {  	s15 =	sshrl.u32 s14, $0x3  }
0x1d: {  	s16 =	simm.s32 $0x4000;
	s15 =	sadd.s32 s2, s15  }
0x1e: {  	[tilespmem:s12], [sflag:$0x2] =	stream.strided.gather [hbm4b:s15+s9], $0x300, s16, s9, $0x38;
	[tilespmem:$0x10300] =	vst v63  }
0x1f: {  	_ =	swait.ge [sflag:s11], $0x300  }
0x20: {  	[sflag:s11] =	ssyncset.done $0x0  }
0x21: {  	s16 =	simm.s32 $0x300;
	[sflag:s11] =	ssyncadd.s32 $0xFFFFFD00  }
0x22: {  	[tilespmem:s16], [sflag:$0x1] =	stream.indirect.gather [hbm4b:s4+s9], $0x40, s12, s9, $0xb8;
	[tilespmem:$0x10300] =	vst v63  }
0x23: {  	s17 =	simm.s32 $0x1300  }
0x24: {  	[tilespmem:s17], [sflag:$0x1] =	stream.indirect.gather [hbm4b:s5+s9], $0x40, s9, s9, $0xb8;
	[tilespmem:$0x10300] =	vst v63  }
0x25: {  	s18 =	simm.s32 $0x80;
	s19 =	simm.s32 $0x2300  }
0x26: {  	[tilespmem:s19], [sflag:$0x1] =	stream.indirect.gather [hbm4b:s5+s9], $0x40, s18, s9, $0xb8;
	[tilespmem:$0x10300] =	vst v63  }
0x27: {  	s16 =	simm.s32 $0xC0;
	s17 =	simm.s32 $0x3300  }
0x28: {  	[tilespmem:s17], [sflag:$0x1] =	stream.indirect.gather [hbm4b:s5+s9], $0x40, s16, s9, $0xb8;
	[tilespmem:$0x10300] =	vst v63  }
0x29: {  	s18 =	simm.s32 $0x100;
	s19 =	simm.s32 $0x4300  }
0x2a: {  	[tilespmem:s19], [sflag:$0x1] =	stream.indirect.gather [hbm4b:s5+s9], $0x40, s18, s9, $0xb8;
	[tilespmem:$0x10300] =	vst v63  }
0x2b: {  	_ = 	snop  }
0x2c: {  	[tilespmem:s21], [sflag:$0x1] =	stream.indirect.gather [hbm4b:s5+s9], $0x40, s20, s9, $0xb8;
	[tilespmem:$0x10300] =	vst v63  }
0x2d: {  	_ = 	snop  }
0x2e: {  	[tilespmem:s23], [sflag:$0x1] =	stream.indirect.gather [hbm4b:s5+s9], $0x40, s22, s9, $0xb8;
	[tilespmem:$0x10300] =	vst v63  }
0x2f: {  	_ = 	snop  }
0x30: {  	[tilespmem:s25], [sflag:$0x1] =	stream.indirect.gather [hbm4b:s5+s9], $0x40, s24, s9, $0xb8;
	[tilespmem:$0x10300] =	vst v63  }
0x31: {  	_ = 	snop  }
0x32: {  	[tilespmem:s28], [sflag:$0x1] =	stream.indirect.gather [hbm4b:s5+s9], $0x40, s26, s9, $0xb8;
	[tilespmem:$0x10300] =	vst v63  }
0x33: {  	_ = 	snop  }
0x34: {  	[tilespmem:s30], [sflag:$0x1] =	stream.indirect.gather [hbm4b:s5+s9], $0x40, s29, s9, $0xb8;
	[tilespmem:$0x10300] =	vst v63  }
0x35: {  	_ = 	snop  }
0x36: {  	[tilespmem:s0], [sflag:$0x1] =	stream.indirect.gather [hbm4b:s5+s9], $0x40, s31, s9, $0xb8;
	[tilespmem:$0x10300] =	vst v63  }
0x37: {  	_ = 	snop  }
0x38: {  	[tilespmem:s8], [sflag:$0x1] =	stream.indirect.gather [hbm4b:s5+s9], $0x40, s3, s9, $0xb8;
	[tilespmem:$0x10300] =	vst v63  }
0x39: {  	_ =	swait.ge [sflag:s1], $0x1000  }
0x3a: {  	[sflag:s1] =	ssyncset.done $0x0  }
0x3b: {  	[sflag:s1] =	ssyncadd.s32 $0xFFFFF000  }
0x3c: {  	_ =	swait.ge [sflag:s1], $0x1000  }
0x3d: {  	[sflag:s1] =	ssyncset.done $0x0  }
0x3e: {  	[sflag:s1] =	ssyncadd.s32 $0xFFFFF000  }
0x3f: {  	_ =	swait.ge [sflag:s1], $0x1000  }
0x40: {  	[sflag:s1] =	ssyncset.done $0x0  }
0x41: {  	[sflag:s1] =	ssyncadd.s32 $0xFFFFF000  }
0x42: {  	_ =	swait.ge [sflag:s1], $0x1000  }
0x43: {  	[sflag:s1] =	ssyncset.done $0x0  }
0x44: {  	[sflag:s1] =	ssyncadd.s32 $0xFFFFF000  }
0x45: {  	_ =	swait.ge [sflag:s1], $0x1000  }
0x46: {  	[sflag:s1] =	ssyncset.done $0x0  }
0x47: {  	[sflag:s1] =	ssyncadd.s32 $0xFFFFF000  }
0x48: {  	_ =	swait.ge [sflag:s1], $0x1000  }
0x49: {  	[sflag:s1] =	ssyncset.done $0x0  }
0x4a: {  	[sflag:s1] =	ssyncadd.s32 $0xFFFFF000  }
0x4b: {  	_ =	swait.ge [sflag:s1], $0x1000  }
0x4c: {  	[sflag:s1] =	ssyncset.done $0x0  }
0x4d: {  	[sflag:s1] =	ssyncadd.s32 $0xFFFFF000  }
0x4e: {  	_ =	swait.ge [sflag:s1], $0x1000  }
0x4f: {  	[sflag:s1] =	ssyncset.done $0x0  }
0x50: {  	[sflag:s1] =	ssyncadd.s32 $0xFFFFF000  }
0x51: {  	_ =	swait.ge [sflag:s1], $0x1000  }
0x52: {  	[sflag:s1] =	ssyncset.done $0x0  }
0x53: {  	[sflag:s1] =	ssyncadd.s32 $0xFFFFF000  }
0x54: {  	_ =	swait.ge [sflag:s1], $0x1000  }
0x55: {  	[sflag:s1] =	ssyncset.done $0x0  }
0x56: {  	[sflag:s1] =	ssyncadd.s32 $0xFFFFF000  }
0x57: {  	_ =	swait.ge [sflag:s1], $0x1000  }
0x58: {  	[sflag:s1] =	ssyncset.done $0x0  }
0x59: {  	[sflag:s1] =	ssyncadd.s32 $0xFFFFF000  }
0x5a: {  	_ =	swait.ge [sflag:s1], $0x1000  }
0x5b: {  	[sflag:s1] =	ssyncset.done $0x0  }
0x5c: {  	s15 =	simm.s32 $0x0;
	[sflag:s1] =	ssyncadd.s32 $0xFFFFF000  }
0x5d: {  	v5 =	vld [tilespmem:s15+$0x1310]  }
0x5e: {  	v1 =	vld [tilespmem:s15+$0x300]  }
0x5f: {  	v6 =	vld [tilespmem:s15+$0x1300]  }
0x60: {  	v3 =	vld [tilespmem:s15+$0x310]  }
0x61: {  	v4 =	vld [tilespmem:s15+$0x320]  }
0x62: {  	v7 =	vld [tilespmem:s15+$0x1320]  }
0x63: {  	v2 =	vld [tilespmem:s15+$0x330]  }
0x64: {  	v8 =	vld [tilespmem:s15+$0x1330]  }
0x65: {  	v6 =	vmul.f32 v6, v1;
	v5 =	vmul.f32 v5, v3;
	_ =	sdelay $0x1  }
0x66: {  	v5 =	vadd.f32 v5, v6;
	v6 =	vmul.f32 v7, v4;
	_ =	sdelay $0x1  }
0x67: {  	v5 =	vadd.f32 v6, v5;
	v6 =	vmul.f32 v8, v2;
	_ =	sdelay $0x1  }
0x68: {  	v5 =	vadd.f32 v6, v5  }
0x69: {  	s16 =	simm.s32 $0xC350  }
0x6a: {  	[tilespmem:s16+$0xFFFFFFB0] =	vst v5  }
0x6b: {  	v5 =	vld [tilespmem:s15+$0x2300]  }
0x6c: {  	v6 =	vld [tilespmem:s15+$0x2310];
	_ =	sdelay $0x1  }
0x6d: {  	v7 =	vld [tilespmem:s15+$0x2320];
	_ =	sdelay $0x1  }
0x6e: {  	v8 =	vld [tilespmem:s15+$0x2330]  }
0x6f: {  	v5 =	vmul.f32 v5, v1;
	v6 =	vmul.f32 v6, v3;
	_ =	sdelay $0x1  }
0x70: {  	v5 =	vadd.f32 v6, v5;
	v6 =	vmul.f32 v7, v4;
	_ =	sdelay $0x1  }
0x71: {  	v5 =	vadd.f32 v6, v5;
	v6 =	vmul.f32 v8, v2;
	_ =	sdelay $0x1  }
0x72: {  	v5 =	vadd.f32 v6, v5;
	_ =	sdelay $0x1  }
0x73: {  	[tilespmem:s16+$0xFFFFFFC0] =	vst v5  }
0x74: {  	v5 =	vld [tilespmem:s15+$0x3300]  }
0x75: {  	v6 =	vld [tilespmem:s15+$0x3310];
	_ =	sdelay $0x1  }
0x76: {  	v7 =	vld [tilespmem:s15+$0x3320];
	_ =	sdelay $0x1  }
0x77: {  	v8 =	vld [tilespmem:s15+$0x3330]  }
0x78: {  	v5 =	vmul.f32 v5, v1;
	v6 =	vmul.f32 v6, v3;
	_ =	sdelay $0x1  }
0x79: {  	v5 =	vadd.f32 v6, v5;
	v6 =	vmul.f32 v7, v4;
	_ =	sdelay $0x1  }
0x7a: {  	v5 =	vadd.f32 v6, v5;
	v6 =	vmul.f32 v8, v2;
	_ =	sdelay $0x1  }
0x7b: {  	v5 =	vadd.f32 v6, v5;
	_ =	sdelay $0x1  }
0x7c: {  	[tilespmem:s16+$0xFFFFFFD0] =	vst v5  }
0x7d: {  	v5 =	vld [tilespmem:s15+$0x4300]  }
0x7e: {  	v6 =	vld [tilespmem:s15+$0x4310];
	_ =	sdelay $0x1  }
0x7f: {  	v7 =	vld [tilespmem:s15+$0x4320];
	_ =	sdelay $0x1  }
0x80: {  	v8 =	vld [tilespmem:s15+$0x4330]  }
0x81: {  	v5 =	vmul.f32 v5, v1;
	v6 =	vmul.f32 v6, v3;
	_ =	sdelay $0x1  }
0x82: {  	v5 =	vadd.f32 v6, v5;
	v6 =	vmul.f32 v7, v4;
	_ =	sdelay $0x1  }
0x83: {  	v5 =	vadd.f32 v6, v5;
	v6 =	vmul.f32 v8, v2;
	_ =	sdelay $0x1  }
0x84: {  	v5 =	vadd.f32 v6, v5;
	_ =	sdelay $0x1  }
0x85: {  	[tilespmem:s16+$0xFFFFFFE0] =	vst v5  }
0x86: {  	v5 =	vld [tilespmem:s15+$0x5310]  }
0x87: {  	v6 =	vld [tilespmem:s15+$0x5300];
	_ =	sdelay $0x1  }
0x88: {  	v7 =	vld [tilespmem:s15+$0x5320];
	_ =	sdelay $0x1  }
0x89: {  	v8 =	vld [tilespmem:s15+$0x5330]  }
0x8a: {  	v5 =	vmul.f32 v5, v3;
	v6 =	vmul.f32 v6, v1;
	_ =	sdelay $0x1  }
0x8b: {  	v5 =	vadd.f32 v5, v6;
	v6 =	vmul.f32 v7, v4;
	_ =	sdelay $0x1  }
0x8c: {  	v5 =	vadd.f32 v6, v5;
	v6 =	vmul.f32 v8, v2;
	_ =	sdelay $0x1  }
0x8d: {  	v5 =	vadd.f32 v6, v5;
	_ =	sdelay $0x1  }
0x8e: {  	[tilespmem:s16+$0xFFFFFFF0] =	vst v5  }
0x8f: {  	v5 =	vld [tilespmem:s15+$0x6300]  }
0x90: {  	v6 =	vld [tilespmem:s15+$0x6310];
	_ =	sdelay $0x1  }
0x91: {  	v7 =	vld [tilespmem:s15+$0x6320];
	_ =	sdelay $0x1  }
0x92: {  	v8 =	vld [tilespmem:s15+$0x6330]  }
0x93: {  	v5 =	vmul.f32 v5, v1;
	v6 =	vmul.f32 v6, v3;
	_ =	sdelay $0x1  }
0x94: {  	v5 =	vadd.f32 v6, v5;
	v6 =	vmul.f32 v7, v4;
	_ =	sdelay $0x1  }
0x95: {  	v5 =	vadd.f32 v6, v5;
	v6 =	vmul.f32 v8, v2;
	_ =	sdelay $0x1  }
0x96: {  	v5 =	vadd.f32 v6, v5;
	_ =	sdelay $0x1  }
0x97: {  	[tilespmem:s16+$0x0] =	vst v5  }
0x98: {  	v5 =	vld [tilespmem:s15+$0x7300]  }
0x99: {  	v6 =	vld [tilespmem:s15+$0x7310];
	_ =	sdelay $0x1  }
0x9a: {  	v7 =	vld [tilespmem:s15+$0x7320];
	_ =	sdelay $0x1  }
0x9b: {  	v8 =	vld [tilespmem:s15+$0x7330]  }
0x9c: {  	v5 =	vmul.f32 v5, v1;
	v6 =	vmul.f32 v6, v3;
	_ =	sdelay $0x1  }
0x9d: {  	v7 =	vmul.f32 v7, v4;
	v5 =	vadd.f32 v6, v5;
	_ =	sdelay $0x1  }
0x9e: {  	v6 =	vmul.f32 v8, v2;
	v5 =	vadd.f32 v7, v5;
	_ =	sdelay $0x1  }
0x9f: {  	v5 =	vadd.f32 v6, v5;
	_ =	sdelay $0x1  }
0xa0: {  	[tilespmem:s16+$0x10] =	vst v5  }
0xa1: {  	v5 =	vld [tilespmem:s15+$0x8310]  }
0xa2: {  	v6 =	vld [tilespmem:s15+$0x8300];
	_ =	sdelay $0x1  }
0xa3: {  	v7 =	vld [tilespmem:s15+$0x8320];
	_ =	sdelay $0x1  }
0xa4: {  	v8 =	vld [tilespmem:s15+$0x8330]  }
0xa5: {  	v5 =	vmul.f32 v5, v3;
	v6 =	vmul.f32 v6, v1;
	_ =	sdelay $0x1  }
0xa6: {  	v5 =	vadd.f32 v5, v6;
	v6 =	vmul.f32 v7, v4;
	_ =	sdelay $0x1  }
0xa7: {  	v5 =	vadd.f32 v6, v5;
	v6 =	vmul.f32 v8, v2;
	_ =	sdelay $0x1  }
0xa8: {  	v5 =	vadd.f32 v6, v5;
	_ =	sdelay $0x1  }
0xa9: {  	[tilespmem:s16+$0x20] =	vst v5  }
0xaa: {  	v5 =	vld [tilespmem:s15+$0x9300]  }
0xab: {  	s17 =	simm.s32 $0xC350;
	s18 =	simm.s32 $0x100;
	v6 =	vld [tilespmem:s15+$0x9310]  }
.LBB2_5:
0xac: {  	p0 =	sne.s32 s18, $0x3F00  }
0xad: {  	v7 =	vld [tilespmem:s15+$0x9320];
	s16 =	sadd.s32 $0x100, s16;
	s19 =	smov.u32 s18;
	s18 =	sadd.s32 $0x100, s18  }
0xae: {  	v8 =	vld [tilespmem:s15+$0x9330];
	_ =	sdelay $0x2  }
0xaf: {  	v5 =	vmul.f32 v5, v1;
	v6 =	vmul.f32 v6, v3  }
0xb0: {  	v7 =	vmul.f32 v7, v4  }
0xb1: {  	v5 =	vadd.f32 v6, v5;
	_ =	sdelay $0x1  }
0xb2: {  	v6 =	vmul.f32 v8, v2;
	v5 =	vadd.f32 v7, v5;
	_ =	sdelay $0x1  }
0xb3: {  	v5 =	vadd.f32 v6, v5;
	_ =	sdelay $0x1  }
0xb4: {  	[tilespmem:s17+$0x30] =	vst v5  }
0xb5: {  	s19 =	sshra.s32 s19, $0x2;
	v5 =	vld [tilespmem:s15+$0xA300]  }
0xb6: {  	v6 =	vld [tilespmem:s15+$0xA310]  }
0xb7: {  	v7 =	vld [tilespmem:s15+$0xA320]  }
0xb8: {  	v8 =	vld [tilespmem:s15+$0xA330];
	_ =	sdelay $0x1  }
0xb9: {  	v5 =	vmul.f32 v5, v1  }
0xba: {  	v6 =	vmul.f32 v6, v3  }
0xbb: {  	v7 =	vmul.f32 v7, v4  }
0xbc: {  	v5 =	vadd.f32 v6, v5;
	_ =	sdelay $0x1  }
0xbd: {  	v6 =	vmul.f32 v8, v2;
	v5 =	vadd.f32 v7, v5;
	_ =	sdelay $0x1  }
0xbe: {  	v5 =	vadd.f32 v6, v5;
	_ =	sdelay $0x1  }
0xbf: {  	[tilespmem:s17+$0x40] =	vst v5  }
0xc0: {  	v5 =	vld [tilespmem:s15+$0xB300]  }
0xc1: {  	v6 =	vld [tilespmem:s15+$0xB310]  }
0xc2: {  	v7 =	vld [tilespmem:s15+$0xB320]  }
0xc3: {  	v8 =	vld [tilespmem:s15+$0xB330];
	s15 =	smov.u32 s19;
	_ =	sdelay $0x1  }
0xc4: {  	v1 =	vmul.f32 v5, v1  }
0xc5: {  	v3 =	vmul.f32 v6, v3  }
0xc6: {  	v4 =	vmul.f32 v7, v4  }
0xc7: {  	v1 =	vadd.f32 v3, v1;
	_ =	sdelay $0x1  }
0xc8: {  	v2 =	vmul.f32 v8, v2;
	v1 =	vadd.f32 v4, v1;
	_ =	sdelay $0x1  }
0xc9: {  	v1 =	vadd.f32 v2, v1;
	_ =	sdelay $0x1  }
0xca: {  	[tilespmem:s17+$0x50] =	vst v1;
	s17 =	smov.u32 s16  }
0xcb: {  	v5 =	vld [tilespmem:s15+$0x1310]  }
0xcc: {  	v1 =	vld [tilespmem:s15+$0x300]  }
0xcd: {  	v6 =	vld [tilespmem:s15+$0x1300]  }
0xce: {  	v3 =	vld [tilespmem:s15+$0x310]  }
0xcf: {  	v4 =	vld [tilespmem:s15+$0x320]  }
0xd0: {  	v7 =	vld [tilespmem:s15+$0x1320]  }
0xd1: {  	v2 =	vld [tilespmem:s15+$0x330]  }
0xd2: {  	v8 =	vld [tilespmem:s15+$0x1330]  }
0xd3: {  	v6 =	vmul.f32 v6, v1;
	v5 =	vmul.f32 v5, v3;
	_ =	sdelay $0x1  }
0xd4: {  	v5 =	vadd.f32 v5, v6;
	v6 =	vmul.f32 v7, v4;
	_ =	sdelay $0x1  }
0xd5: {  	v5 =	vadd.f32 v6, v5;
	v6 =	vmul.f32 v8, v2;
	_ =	sdelay $0x1  }
0xd6: {  	v5 =	vadd.f32 v6, v5;
	_ =	sdelay $0x1  }
0xd7: {  	[tilespmem:s16+$0xFFFFFFB0] =	vst v5  }
0xd8: {  	v5 =	vld [tilespmem:s15+$0x2300]  }
0xd9: {  	v6 =	vld [tilespmem:s15+$0x2310];
	_ =	sdelay $0x1  }
0xda: {  	v7 =	vld [tilespmem:s15+$0x2320];
	_ =	sdelay $0x1  }
0xdb: {  	v5 =	vmul.f32 v5, v1;
	v8 =	vld [tilespmem:s15+$0x2330]  }
0xdc: {  	v6 =	vmul.f32 v6, v3;
	_ =	sdelay $0x1  }
0xdd: {  	v5 =	vadd.f32 v6, v5;
	v6 =	vmul.f32 v7, v4;
	_ =	sdelay $0x1  }
0xde: {  	v5 =	vadd.f32 v6, v5;
	v6 =	vmul.f32 v8, v2;
	_ =	sdelay $0x1  }
0xdf: {  	v5 =	vadd.f32 v6, v5;
	_ =	sdelay $0x1  }
0xe0: {  	[tilespmem:s16+$0xFFFFFFC0] =	vst v5  }
0xe1: {  	v5 =	vld [tilespmem:s15+$0x3300]  }
0xe2: {  	v6 =	vld [tilespmem:s15+$0x3310];
	_ =	sdelay $0x1  }
0xe3: {  	v7 =	vld [tilespmem:s15+$0x3320];
	_ =	sdelay $0x1  }
0xe4: {  	v5 =	vmul.f32 v5, v1;
	v8 =	vld [tilespmem:s15+$0x3330]  }
0xe5: {  	v6 =	vmul.f32 v6, v3;
	_ =	sdelay $0x1  }
0xe6: {  	v5 =	vadd.f32 v6, v5;
	v6 =	vmul.f32 v7, v4;
	_ =	sdelay $0x1  }
0xe7: {  	v5 =	vadd.f32 v6, v5;
	v6 =	vmul.f32 v8, v2;
	_ =	sdelay $0x1  }
0xe8: {  	v5 =	vadd.f32 v6, v5;
	_ =	sdelay $0x1  }
0xe9: {  	[tilespmem:s16+$0xFFFFFFD0] =	vst v5  }
0xea: {  	v5 =	vld [tilespmem:s15+$0x4300]  }
0xeb: {  	v6 =	vld [tilespmem:s15+$0x4310]  }
0xec: {  	v7 =	vld [tilespmem:s15+$0x4330]  }
0xed: {  	v8 =	vld [tilespmem:s15+$0x4320];
	_ =	sdelay $0x1  }
0xee: {  	v5 =	vmul.f32 v5, v1  }
0xef: {  	v6 =	vmul.f32 v6, v3;
	_ =	sdelay $0x1  }
0xf0: {  	v5 =	vadd.f32 v6, v5;
	v6 =	vmul.f32 v8, v4;
	_ =	sdelay $0x1  }
0xf1: {  	v5 =	vadd.f32 v6, v5;
	v6 =	vmul.f32 v7, v2;
	_ =	sdelay $0x1  }
0xf2: {  	v5 =	vadd.f32 v6, v5;
	_ =	sdelay $0x1  }
0xf3: {  	[tilespmem:s16+$0xFFFFFFE0] =	vst v5  }
0xf4: {  	v5 =	vld [tilespmem:s15+$0x5310]  }
0xf5: {  	v6 =	vld [tilespmem:s15+$0x5300]  }
0xf6: {  	v7 =	vld [tilespmem:s15+$0x5320]  }
0xf7: {  	v8 =	vld [tilespmem:s15+$0x5330];
	_ =	sdelay $0x1  }
0xf8: {  	v5 =	vmul.f32 v5, v3  }
0xf9: {  	v6 =	vmul.f32 v6, v1;
	_ =	sdelay $0x1  }
0xfa: {  	v5 =	vadd.f32 v5, v6;
	v6 =	vmul.f32 v7, v4;
	_ =	sdelay $0x1  }
0xfb: {  	v5 =	vadd.f32 v6, v5;
	v6 =	vmul.f32 v8, v2;
	_ =	sdelay $0x1  }
0xfc: {  	v5 =	vadd.f32 v6, v5;
	_ =	sdelay $0x1  }
0xfd: {  	[tilespmem:s16+$0xFFFFFFF0] =	vst v5  }
0xfe: {  	v5 =	vld [tilespmem:s15+$0x6300]  }
0xff: {  	v6 =	vld [tilespmem:s15+$0x6310]  }
0x100: {  	v7 =	vld [tilespmem:s15+$0x6320]  }
0x101: {  	v8 =	vld [tilespmem:s15+$0x6330];
	_ =	sdelay $0x1  }
0x102: {  	v5 =	vmul.f32 v5, v1  }
0x103: {  	v6 =	vmul.f32 v6, v3;
	_ =	sdelay $0x1  }
0x104: {  	v5 =	vadd.f32 v6, v5;
	v6 =	vmul.f32 v7, v4;
	_ =	sdelay $0x1  }
0x105: {  	v5 =	vadd.f32 v6, v5;
	v6 =	vmul.f32 v8, v2;
	_ =	sdelay $0x1  }
0x106: {  	v5 =	vadd.f32 v6, v5;
	_ =	sdelay $0x1  }
0x107: {  	[tilespmem:s16+$0x0] =	vst v5  }
0x108: {  	v5 =	vld [tilespmem:s15+$0x7300]  }
0x109: {  	v6 =	vld [tilespmem:s15+$0x7310]  }
0x10a: {  	v7 =	vld [tilespmem:s15+$0x7320]  }
0x10b: {  	v8 =	vld [tilespmem:s15+$0x7330];
	_ =	sdelay $0x1  }
0x10c: {  	v5 =	vmul.f32 v5, v1  }
0x10d: {  	v6 =	vmul.f32 v6, v3  }
0x10e: {  	v7 =	vmul.f32 v7, v4  }
0x10f: {  	v5 =	vadd.f32 v6, v5;
	_ =	sdelay $0x1  }
0x110: {  	v6 =	vmul.f32 v8, v2;
	v5 =	vadd.f32 v7, v5;
	_ =	sdelay $0x1  }
0x111: {  	v5 =	vadd.f32 v6, v5;
	_ =	sdelay $0x1  }
0x112: {  	[tilespmem:s16+$0x10] =	vst v5  }
0x113: {  	v5 =	vld [tilespmem:s15+$0x8310]  }
0x114: {  	v6 =	vld [tilespmem:s15+$0x8300]  }
0x115: {  	v7 =	vld [tilespmem:s15+$0x8330]  }
0x116: {  	v8 =	vld [tilespmem:s15+$0x8320];
	_ =	sdelay $0x1  }
0x117: {  	v5 =	vmul.f32 v5, v3  }
0x118: {  	v6 =	vmul.f32 v6, v1;
	_ =	sdelay $0x1  }
0x119: {  	v5 =	vadd.f32 v5, v6;
	v6 =	vmul.f32 v8, v4;
	_ =	sdelay $0x1  }
0x11a: {  	v5 =	vadd.f32 v6, v5;
	v6 =	vmul.f32 v7, v2;
	_ =	sdelay $0x1  }
.Ltmp1:
0x11b: {  	v5 =	vadd.f32 v6, v5;
	(pc) =	sbr.rel @p0 .LBB2_5-.Ltmp1, $4  }
0x11c: {  	_ = 	snop  }
0x11d: {  	[tilespmem:s16+$0x20] =	vst v5  }
0x11e: {  	v5 =	vld [tilespmem:s15+$0x9300]  }
0x11f: {  	v6 =	vld [tilespmem:s15+$0x9310]  }
0x120: {  	_ = 	snop  }
0x121: {  	v7 =	vld [tilespmem:s15+$0x9320];
	_ =	sdelay $0x1  }
0x122: {  	v8 =	vld [tilespmem:s15+$0x9330]  }
0x123: {  	v5 =	vmul.f32 v5, v1;
	v6 =	vmul.f32 v6, v3;
	_ =	sdelay $0x1  }
0x124: {  	v7 =	vmul.f32 v7, v4;
	v5 =	vadd.f32 v6, v5;
	_ =	sdelay $0x1  }
0x125: {  	v55 =	vmul.f32 v8, v2;
	v5 =	vadd.f32 v7, v5;
	_ =	sdelay $0x1  }
0x126: {  	v5 =	vadd.f32 v55, v5;
	_ =	sdelay $0x1  }
0x127: {  	[tilespmem:s17+$0x30] =	vst v5  }
0x128: {  	v5 =	vld [tilespmem:s15+$0xA300]  }
0x129: {  	v56 =	vld [tilespmem:s15+$0xA310];
	_ =	sdelay $0x1  }
0x12a: {  	v57 =	vld [tilespmem:s15+$0xA320];
	_ =	sdelay $0x1  }
0x12b: {  	v58 =	vld [tilespmem:s15+$0xA330]  }
0x12c: {  	v5 =	vmul.f32 v5, v1;
	v6 =	vmul.f32 v56, v3;
	_ =	sdelay $0x1  }
0x12d: {  	v7 =	vmul.f32 v57, v4;
	v5 =	vadd.f32 v6, v5;
	_ =	sdelay $0x1  }
0x12e: {  	v59 =	vmul.f32 v58, v2;
	v5 =	vadd.f32 v7, v5;
	_ =	sdelay $0x1  }
0x12f: {  	v5 =	vadd.f32 v59, v5;
	_ =	sdelay $0x1  }
0x130: {  	[tilespmem:s17+$0x40] =	vst v5  }
0x131: {  	v5 =	vld [tilespmem:s15+$0xB300]  }
0x132: {  	v60 =	vld [tilespmem:s15+$0xB310];
	_ =	sdelay $0x1  }
0x133: {  	v61 =	vld [tilespmem:s15+$0xB320];
	_ =	sdelay $0x1  }
0x134: {  	v62 =	vld [tilespmem:s15+$0xB330]  }
0x135: {  	v1 =	vmul.f32 v5, v1;
	v3 =	vmul.f32 v60, v3;
	_ =	sdelay $0x1  }
0x136: {  	v63 =	vmul.f32 v61, v4;
	v1 =	vadd.f32 v3, v1;
	_ =	sdelay $0x1  }
0x137: {  	v2 =	vmul.f32 v62, v2;
	v1 =	vadd.f32 v63, v1;
	_ =	sdelay $0x1  }
0x138: {  	s13 =	sadd.s32 $0x1, s13;
	v1 =	vadd.f32 v2, v1  }
0x139: {  	s14 =	sshll.u32 s14, $0x5;
	p0 =	sne.s32 s13, $0x8  }
.Ltmp2:
0x13a: {  	s19 =	simm.s32 $0x0;
	s14 =	sadd.s32 s6, s14;
	[tilespmem:s17+$0x50] =	vst v1;
	(pc) =	sbr.rel @p0 .LBB2_4-.Ltmp2, $4  }
0x13b: {  	[hbm4b:s14+s19] =	stream.linear.scatter [tilespmem:s10], [sflag:$0x2], $0x4000, $0x38;
	[tilespmem:$0x10300] =	vst v63  }
0x13c: {  	_ =	swait.ge [sflag:s11], $0x4000  }
0x13d: {  	[sflag:s11] =	ssyncset.done $0x0  }
0x13e: {  	[sflag:s11] =	ssyncadd.s32 $0xFFFFC000  }
0x13f: {  	s13 =	rddreg [dreg:$0x3]  }
0x140: {  	s12 =	rddreg [dreg:$0x2];
	s13 =	sadd.s32 $0x1, s13  }
0x141: {  	p0 =	sne.s32 s13, s12  }
.Ltmp3:
0x142: {  	_ = 	snop;
	(pc) =	sbr.rel @p0 .LBB2_1-.Ltmp3, $1  }
0x143: {  	_ =	sdelay $0x3  }
0x144: {  	_ =	sfence.sel $0x180000  }
0x145: {  	[bflag:$0x0] =	sbarrier.arrive $0xFFFF  }
0x146: {  	_ =	strace $0x90000047  }
0x147: {  	s0 =	stileid.u32;
	[bflag:$0x2] =	sbarrier.arrive $0xFFFF  }
0x148: {  	p0 =	sne.s32 s0, $0x0;
	s0 =	rddreg [dreg:$0x1]  }
0x149: {  	s0 =	sadd.s32 @!p0 $0x100000, s0  }
0x14a: {  	[sflag:s0] =	ssyncadd.tile.s32 @!p0 $0x1;
	_ =	shalt  }
.Lfunc_end2:
_tile_overlayer_lowered:
.L_overlay_start_2:
0x14b: {  	(tag) =	ssettag $0x2  }
0x14c: {  	s0 =	rddreg [dreg:$0x0];
	s2 =	stileid.u32  }
0x14d: {  	s1 =	rddreg [dreg:$0x1];
	p0 =	sne.s32 s2, $0x0  }
0x14e: {  	s3 =	rddreg [dreg:$0x2];
	[bflag:$0x3] =	sbarrier.arrive $0xFFFF;
	s2 =	simm.s32 @!p0 $0x1C02  }
0x14f: {  	[timem:s3], [sflag:s2] =	dma.local @!p0 [hbm:s0], s1  }
0x150: {  	s0 =	simm.s32 @!p0 $0x2  }
0x151: {  	_ =	swait.ge @!p0 [sflag:s0], s1  }
0x152: {  	s1 =	ssub.s32 @!p0 $0x0, s1;
	[sflag:s0] =	ssyncset.done @!p0 $0x0  }
0x153: {  	[sflag:s0] =	ssyncadd.s32 @!p0 s1  }
0x154: {  	[bflag:$0x3] =	sbarrier.arrive $0xFFFF  }
0x155: {  	_ =	shalt  }

</sc_bundles>
